<compile_context>
chip_gen: v7x
topology: tpu7x:2x2x1
jax: 0.10.2.dev20260603
libtpu: 0.0.44.dev20260713+nightly
codegen_flags: <defaults>
</compile_context>

<pallas_src>
import functools

import jax
import jax.numpy as jnp
from jax import lax
from jax.experimental import pallas as pl
from jax.experimental.pallas import tpu as pltpu
from jax.experimental.pallas import tpu_sc as plsc

N_NODES = 10000
N_EDGES = 320000
IN_DIM = 128
HID_DIM = 32
EMB_DIM = 64

NC = 2
NS = 16
NW = NC * NS
E_W = N_EDGES // NW
B = 80
NB = E_W // B
NP = 10240
RPS = NP // NS
ZB = 128

_mesh = plsc.VectorSubcoreMesh(
    core_axis_name="c", subcore_axis_name="s", num_cores=NC, num_subcores=NS
)

_sc_params = pltpu.CompilerParams(use_tc_tiling_on_sc=False)

f32 = jnp.float32
i32 = jnp.int32


def _zero_fill(zbuf, f):
    z = jnp.zeros((16,), f32)

    @pl.loop(0, ZB)
    def _(r):
        for j in range(f // 16):
            zbuf[r, pl.ds(j * 16, 16)] = z


def _zero_acc(zbuf, acc, sid, f):
    _zero_fill(zbuf, f)
    for k in range(RPS // ZB):
        pltpu.sync_copy(zbuf, acc.at[pl.ds(sid * RPS + k * ZB, ZB)])


def _copy_out(acc, out_hbm, cid, sid):
    pltpu.sync_copy(
        acc.at[pl.ds(sid * RPS, RPS)], out_hbm.at[cid, pl.ds(sid * RPS, RPS)]
    )


@functools.partial(
    pl.kernel,
    out_type=jax.ShapeDtypeStruct((NC, NP, 16), f32),
    mesh=_mesh,
    scratch_types=[
        pltpu.VMEM((B,), i32),
        pltpu.VMEM((B, 16), f32),
        pltpu.VMEM((ZB, 16), f32),
        pltpu.VMEM_SHARED((NP, 16), f32),
    ],
    compiler_params=_sc_params,
)
def _sc_deg(dst_hbm, out_hbm, didx, ones, zbuf, acc):
    cid = lax.axis_index("c")
    sid = lax.axis_index("s")
    wid = cid * NS + sid

    one = jnp.full((16,), 1.0, f32)

    @pl.loop(0, B)
    def _(r):
        ones[r] = one

    _zero_acc(zbuf, acc, sid, 16)
    plsc.subcore_barrier()

    @pl.loop(0, NB)
    def _(b):
        pltpu.sync_copy(dst_hbm.at[pl.ds(wid * E_W + b * B, B)], didx)
        pltpu.sync_copy(ones, acc.at[didx], add=True)

    plsc.subcore_barrier()
    _copy_out(acc, out_hbm, cid, sid)


def _make_sc_scatter(f):

    @functools.partial(
        pl.kernel,
        out_type=jax.ShapeDtypeStruct((NC, NP, f), f32),
        mesh=_mesh,
        scratch_types=[
            pltpu.VMEM((B,), i32),
            pltpu.VMEM((B,), i32),
            pltpu.VMEM((B, f), f32),
            pltpu.VMEM((ZB, f), f32),
            pltpu.VMEM_SHARED((NP, f), f32),
        ],
        compiler_params=_sc_params,
    )
    def _sc_scatter(g_hbm, src_hbm, dst_hbm, out_hbm, sidx, didx, rows, zbuf, acc):
        cid = lax.axis_index("c")
        sid = lax.axis_index("s")
        wid = cid * NS + sid

        _zero_acc(zbuf, acc, sid, f)
        plsc.subcore_barrier()

        @pl.loop(0, NB)
        def _(b):
            off = wid * E_W + b * B
            pltpu.sync_copy(src_hbm.at[pl.ds(off, B)], sidx)
            pltpu.sync_copy(dst_hbm.at[pl.ds(off, B)], didx)
            pltpu.sync_copy(g_hbm.at[sidx], rows)
            pltpu.sync_copy(rows, acc.at[didx], add=True)

        plsc.subcore_barrier()
        _copy_out(acc, out_hbm, cid, sid)

    return _sc_scatter


_sc_scatter_hid = _make_sc_scatter(HID_DIM)
_sc_scatter_emb = _make_sc_scatter(EMB_DIM)



def _mm1_body(x_ref, w_ref, o_ref):
    o_ref[...] = jnp.dot(x_ref[...], w_ref[...], preferred_element_type=f32)


_mm1 = pl.pallas_call(
    _mm1_body,
    out_shape=jax.ShapeDtypeStruct((N_NODES, HID_DIM), f32),
)


def _prep_body(degp_ref, xw_ref, g1_ref, dinv_ref):
    deg = jnp.sum(degp_ref[:, :N_NODES, :], axis=(0, 2)) + 1.0
    dinv = 1.0 / jnp.sqrt(deg)
    dinv_ref[...] = dinv[:, None]
    g1_ref[...] = dinv[:, None] * xw_ref[...]


_prep = pl.pallas_call(
    _prep_body,
    out_shape=(
        jax.ShapeDtypeStruct((N_NODES, HID_DIM), f32),
        jax.ShapeDtypeStruct((N_NODES, 1), f32),
    ),
)


def _mid_body(acc_ref, g1_ref, dinv_ref, b1_ref, w2_ref, g2_ref):
    dinv = dinv_ref[...]
    pre = dinv * (acc_ref[0, :N_NODES] + acc_ref[1, :N_NODES] + g1_ref[...]) + b1_ref[...]
    h1 = jnp.maximum(pre, 0.0)
    g2_ref[...] = dinv * jnp.dot(h1, w2_ref[...], preferred_element_type=f32)


_mid = pl.pallas_call(
    _mid_body,
    out_shape=jax.ShapeDtypeStruct((N_NODES, EMB_DIM), f32),
)


def _final_body(acc_ref, g2_ref, dinv_ref, b2_ref, o_ref):
    h2 = dinv_ref[...] * (acc_ref[0, :N_NODES] + acc_ref[1, :N_NODES] + g2_ref[...]) + b2_ref[...]
    nrm = jnp.sqrt(jnp.sum(h2 * h2, axis=1, keepdims=True))
    o_ref[...] = h2 / jnp.maximum(nrm, 1e-12)


_final = pl.pallas_call(
    _final_body,
    out_shape=jax.ShapeDtypeStruct((N_NODES, EMB_DIM), f32),
)


def kernel(x, edge_index, W1, b1, W2, b2):
    src = edge_index[0]
    dst = edge_index[1]
    xw1 = _mm1(x, W1)
    degp = _sc_deg(dst)
    g1, dinv = _prep(degp, xw1)
    acc1 = _sc_scatter_hid(g1, src, dst)
    g2 = _mid(acc1, g1, dinv, b1.reshape(1, HID_DIM), W2)
    acc2 = _sc_scatter_emb(g2, src, dst)
    return _final(acc2, g2, dinv, b2.reshape(1, EMB_DIM))

# --- scband reference (transcript-rebuilt; emitter-appended) ---
"""Pipeline reference for scband-simple-gnn-49976239457077 (READ-ONLY COPY).

The authoritative reference and input builder live on the scoring server;
editing this copy changes nothing except your own understanding.
"""

import jax, jax.numpy as jnp
import numpy as np

N_NODES = 10000
N_EDGES = 320000
IN_DIM = 128
HID_DIM = 32
EMB_DIM = 64


def gcn_conv(x, src, dst, W, b, num_nodes):
    # Linear transform first (PyG GCNConv applies lin before propagate)
    x = x @ W
    # Add self-loops (PyG default add_self_loops=True, edge_weight None -> ones)
    loop = jnp.arange(num_nodes, dtype=src.dtype)
    s = jnp.concatenate([src, loop])
    d = jnp.concatenate([dst, loop])
    ew = jnp.ones(s.shape[0], dtype=x.dtype)
    # Symmetric normalization: deg from scatter on target nodes
    deg = jnp.zeros(num_nodes, dtype=x.dtype).at[d].add(ew)
    dinv = jnp.where(deg > 0, 1.0 / jnp.sqrt(deg), 0.0)
    norm = dinv[s] * ew * dinv[d]
    # Message = norm * x_j ; aggregate sum at dst
    msgs = x[s] * norm[:, None]
    out = jnp.zeros((num_nodes, x.shape[1]), dtype=x.dtype).at[d].add(msgs)
    return out + b


def setup_inputs(seed: int = 0) -> dict:
    key = jax.random.key(seed)
    ks = jax.random.split(key, 6)
    x = jax.random.normal(ks[0], (N_NODES, IN_DIM), dtype=jnp.float32)
    edge_index = jax.random.randint(ks[1], (2, N_EDGES), 0, N_NODES, dtype=jnp.int32)
    W1 = jax.random.normal(ks[2], (IN_DIM, HID_DIM), dtype=jnp.float32) * (1.0 / np.sqrt(IN_DIM))
    b1 = jnp.zeros((HID_DIM,), dtype=jnp.float32)
    W2 = jax.random.normal(ks[3], (HID_DIM, EMB_DIM), dtype=jnp.float32) * (1.0 / np.sqrt(HID_DIM))
    b2 = jnp.zeros((EMB_DIM,), dtype=jnp.float32)
    return {"x": x, "edge_index": edge_index, "W1": W1, "b1": b1, "W2": W2, "b2": b2}


def reference(x, edge_index, W1, b1, W2, b2):
    src, dst = edge_index[0], edge_index[1]
    n = x.shape[0]
    h = jax.nn.relu(gcn_conv(x, src, dst, W1, b1, n))
    # num_layers=2 -> self.convs is empty
    h = gcn_conv(h, src, dst, W2, b2, n)
    # F.normalize(p=2, dim=1), eps=1e-12
    nrm = jnp.sqrt(jnp.sum(h * h, axis=1, keepdims=True))
    h = h / jnp.maximum(nrm, 1e-12)
    return h

if __name__ == "__main__":
    import jax
    _d = setup_inputs()
    print(jax.jit(kernel)(*tuple(_d.values())))

</pallas_src>

<mosaic_0001>
#map = affine_map<(d0, d1) -> (0)>
#map1 = affine_map<(d0, d1) -> (0, 0, 0)>
module attributes {stable_mosaic.version = 14 : i64} {
  func.func @_sc_deg(%arg0: i32, %arg1: i32, %arg2: memref<320000xi32, #tpu.memory_space<hbm>>, %arg3: memref<2x10240x16xf32, #tpu.memory_space<hbm>>, %arg4: memref<80xi32, #tpu.memory_space<vmem>>, %arg5: memref<80x16xf32, #tpu.memory_space<vmem>>, %arg6: memref<128x16xf32, #tpu.memory_space<vmem>>, %arg7: memref<10240x16xf32, #tpu.memory_space<vmem_shared>>) attributes {dimension_semantics = [#tpu.dimension_semantics<core_parallel>, #tpu.dimension_semantics<subcore_parallel>], iteration_bounds = array<i64: 2, 16>, scalar_prefetch = 0 : i64, scratch_operands = 4 : i64, tpu.core_type = #tpu.core_type<sc_vector_subcore>, window_params = [{transform_indices = #map}, {transform_indices = #map1}]} {
    %mul3A = arith.constant 16 : i32
    %mul3A_0 = arith.muli %arg0, %mul3A : i32
    %add3A = arith.addi %mul3A_0, %arg1 : i32
    %broadcast_in_dim3A = arith.constant 1.000000e+00 : f32
    %broadcast_in_dim3A_1 = vector.broadcast %broadcast_in_dim3A : f32 to vector<16xf32>
    %scan3A = arith.constant 0 : i32
    %scan3A_2 = arith.constant 80 : i32
    %scan3A_3 = arith.addi %scan3A, %scan3A_2 : i32
    %scan3A_4 = arith.constant 1 : i32
    scf.for %scan3A_43 = %scan3A to %scan3A_3 step %scan3A_4  : i32 {
      %mul3A_44 = arith.constant 1 : i32
      %mul3A_45 = arith.muli %scan3A_43, %mul3A_44 : i32
      %add3A_46 = arith.constant 0 : i32
      %add3A_47 = arith.addi %add3A_46, %mul3A_45 : i32
      %swap3A = arith.index_cast %add3A_47 : i32 to index
      %swap3A_48 = arith.constant 0 : index
      %swap3A_49 = tpu.vector_load %arg5[%swap3A, %swap3A_48] {strides = array<i32>} : memref<80x16xf32, #tpu.memory_space<vmem>>, vector<1x16xf32>,
      %swap3A_50 = vector.shape_cast %swap3A_49 : vector<1x16xf32> to vector<16xf32>
      %swap3A_51 = vector.shape_cast %broadcast_in_dim3A_1 : vector<16xf32> to vector<1x16xf32>
      tpu.vector_store %arg5[%swap3A, %swap3A_48], %swap3A_51 {strides = array<i32>} : memref<80x16xf32, #tpu.memory_space<vmem>>, vector<1x16xf32>,
    }
    %scan3A_5 = arith.constant 80 : i32
    %broadcast_in_dim3A_6 = arith.constant 0.000000e+00 : f32
    %broadcast_in_dim3A_7 = vector.broadcast %broadcast_in_dim3A_6 : f32 to vector<16xf32>
    %scan3A_8 = arith.constant 0 : i32
    %scan3A_9 = arith.constant 128 : i32
    %scan3A_10 = arith.addi %scan3A_8, %scan3A_9 : i32
    %scan3A_11 = arith.constant 1 : i32
    scf.for %scan3A_43 = %scan3A_8 to %scan3A_10 step %scan3A_11  : i32 {
      %mul3A_44 = arith.constant 1 : i32
      %mul3A_45 = arith.muli %scan3A_43, %mul3A_44 : i32
      %add3A_46 = arith.constant 0 : i32
      %add3A_47 = arith.addi %add3A_46, %mul3A_45 : i32
      %swap3A = arith.index_cast %add3A_47 : i32 to index
      %swap3A_48 = arith.constant 0 : index
      %swap3A_49 = tpu.vector_load %arg6[%swap3A, %swap3A_48] {strides = array<i32>} : memref<128x16xf32, #tpu.memory_space<vmem>>, vector<1x16xf32>,
      %swap3A_50 = vector.shape_cast %swap3A_49 : vector<1x16xf32> to vector<16xf32>
      %swap3A_51 = vector.shape_cast %broadcast_in_dim3A_7 : vector<16xf32> to vector<1x16xf32>
      tpu.vector_store %arg6[%swap3A, %swap3A_48], %swap3A_51 {strides = array<i32>} : memref<128x16xf32, #tpu.memory_space<vmem>>, vector<1x16xf32>,
    }
    %scan3A_12 = arith.constant 128 : i32
    %mul3A_13 = arith.constant 640 : i32
    %mul3A_14 = arith.muli %arg1, %mul3A_13 : i32
    %add3A_15 = arith.constant 0 : i32
    %add3A_16 = arith.addi %mul3A_14, %add3A_15 : i32
    "tpu.region"() ({
      %run_scoped3A = tpu.sem_alloc : memref<!tpu.dma_semaphore, #tpu.memory_space<semaphore_mem>>
      %dma_start3A = arith.constant 0 : i32
      %dma_start3A_43 = tpu.memref_slice %arg7[%add3A_16, %dma_start3A] : memref<10240x16xf32, #tpu.memory_space<vmem_shared>> -> memref<128x16xf32, #tpu.memory_space<vmem_shared>>
      %dma_start3A_44 = arith.constant 0 : i32
      %dma_start3A_45 = tpu.memref_slice %arg7[%add3A_16, %dma_start3A_44] : memref<10240x16xf32, #tpu.memory_space<vmem_shared>> -> memref<128x16xf32, #tpu.memory_space<vmem_shared>>
      tpu.enqueue_dma source(%arg6 : memref<128x16xf32, #tpu.memory_space<vmem>>) target(%dma_start3A_45 : memref<128x16xf32, #tpu.memory_space<vmem_shared>>) target_semaphore(%run_scoped3A : memref<!tpu.dma_semaphore, #tpu.memory_space<semaphore_mem>>)
      %dma_wait3A = arith.constant 0 : i32
      %dma_wait3A_46 = tpu.memref_slice %arg7[%add3A_16, %dma_wait3A] : memref<10240x16xf32, #tpu.memory_space<vmem_shared>> -> memref<128x16xf32, #tpu.memory_space<vmem_shared>>
      %dma_wait3A_47 = arith.constant 0 : i32
      %dma_wait3A_48 = tpu.memref_slice %arg7[%add3A_16, %dma_wait3A_47] : memref<10240x16xf32, #tpu.memory_space<vmem_shared>> -> memref<128x16xf32, #tpu.memory_space<vmem_shared>>
      tpu.wait_dma2 semaphore(%run_scoped3A : memref<!tpu.dma_semaphore, #tpu.memory_space<semaphore_mem>>) src(%arg6 : memref<128x16xf32, #tpu.memory_space<vmem>>) dst(%dma_wait3A_48 : memref<128x16xf32, #tpu.memory_space<vmem_shared>>)
      tpu.yield
    }) : () -> ()
    %mul3A_17 = arith.constant 640 : i32
    %mul3A_18 = arith.muli %arg1, %mul3A_17 : i32
    %add3A_19 = arith.constant 128 : i32
    %add3A_20 = arith.addi %mul3A_18, %add3A_19 : i32
    "tpu.region"() ({
      %run_scoped3A = tpu.sem_alloc : memref<!tpu.dma_semaphore, #tpu.memory_space<semaphore_mem>>
      %dma_start3A = arith.constant 0 : i32
      %dma_start3A_43 = tpu.memref_slice %arg7[%add3A_20, %dma_start3A] : memref<10240x16xf32, #tpu.memory_space<vmem_shared>> -> memref<128x16xf32, #tpu.memory_space<vmem_shared>>
      %dma_start3A_44 = arith.constant 0 : i32
      %dma_start3A_45 = tpu.memref_slice %arg7[%add3A_20, %dma_start3A_44] : memref<10240x16xf32, #tpu.memory_space<vmem_shared>> -> memref<128x16xf32, #tpu.memory_space<vmem_shared>>
      tpu.enqueue_dma source(%arg6 : memref<128x16xf32, #tpu.memory_space<vmem>>) target(%dma_start3A_45 : memref<128x16xf32, #tpu.memory_space<vmem_shared>>) target_semaphore(%run_scoped3A : memref<!tpu.dma_semaphore, #tpu.memory_space<semaphore_mem>>)
      %dma_wait3A = arith.constant 0 : i32
      %dma_wait3A_46 = tpu.memref_slice %arg7[%add3A_20, %dma_wait3A] : memref<10240x16xf32, #tpu.memory_space<vmem_shared>> -> memref<128x16xf32, #tpu.memory_space<vmem_shared>>
      %dma_wait3A_47 = arith.constant 0 : i32
      %dma_wait3A_48 = tpu.memref_slice %arg7[%add3A_20, %dma_wait3A_47] : memref<10240x16xf32, #tpu.memory_space<vmem_shared>> -> memref<128x16xf32, #tpu.memory_space<vmem_shared>>
      tpu.wait_dma2 semaphore(%run_scoped3A : memref<!tpu.dma_semaphore, #tpu.memory_space<semaphore_mem>>) src(%arg6 : memref<128x16xf32, #tpu.memory_space<vmem>>) dst(%dma_wait3A_48 : memref<128x16xf32, #tpu.memory_space<vmem_shared>>)
      tpu.yield
    }) : () -> ()
    %mul3A_21 = arith.constant 640 : i32
    %mul3A_22 = arith.muli %arg1, %mul3A_21 : i32
    %add3A_23 = arith.constant 256 : i32
    %add3A_24 = arith.addi %mul3A_22, %add3A_23 : i32
    "tpu.region"() ({
      %run_scoped3A = tpu.sem_alloc : memref<!tpu.dma_semaphore, #tpu.memory_space<semaphore_mem>>
      %dma_start3A = arith.constant 0 : i32
      %dma_start3A_43 = tpu.memref_slice %arg7[%add3A_24, %dma_start3A] : memref<10240x16xf32, #tpu.memory_space<vmem_shared>> -> memref<128x16xf32, #tpu.memory_space<vmem_shared>>
      %dma_start3A_44 = arith.constant 0 : i32
      %dma_start3A_45 = tpu.memref_slice %arg7[%add3A_24, %dma_start3A_44] : memref<10240x16xf32, #tpu.memory_space<vmem_shared>> -> memref<128x16xf32, #tpu.memory_space<vmem_shared>>
      tpu.enqueue_dma source(%arg6 : memref<128x16xf32, #tpu.memory_space<vmem>>) target(%dma_start3A_45 : memref<128x16xf32, #tpu.memory_space<vmem_shared>>) target_semaphore(%run_scoped3A : memref<!tpu.dma_semaphore, #tpu.memory_space<semaphore_mem>>)
      %dma_wait3A = arith.constant 0 : i32
      %dma_wait3A_46 = tpu.memref_slice %arg7[%add3A_24, %dma_wait3A] : memref<10240x16xf32, #tpu.memory_space<vmem_shared>> -> memref<128x16xf32, #tpu.memory_space<vmem_shared>>
      %dma_wait3A_47 = arith.constant 0 : i32
      %dma_wait3A_48 = tpu.memref_slice %arg7[%add3A_24, %dma_wait3A_47] : memref<10240x16xf32, #tpu.memory_space<vmem_shared>> -> memref<128x16xf32, #tpu.memory_space<vmem_shared>>
      tpu.wait_dma2 semaphore(%run_scoped3A : memref<!tpu.dma_semaphore, #tpu.memory_space<semaphore_mem>>) src(%arg6 : memref<128x16xf32, #tpu.memory_space<vmem>>) dst(%dma_wait3A_48 : memref<128x16xf32, #tpu.memory_space<vmem_shared>>)
      tpu.yield
    }) : () -> ()
    %mul3A_25 = arith.constant 640 : i32
    %mul3A_26 = arith.muli %arg1, %mul3A_25 : i32
    %add3A_27 = arith.constant 384 : i32
    %add3A_28 = arith.addi %mul3A_26, %add3A_27 : i32
    "tpu.region"() ({
      %run_scoped3A = tpu.sem_alloc : memref<!tpu.dma_semaphore, #tpu.memory_space<semaphore_mem>>
      %dma_start3A = arith.constant 0 : i32
      %dma_start3A_43 = tpu.memref_slice %arg7[%add3A_28, %dma_start3A] : memref<10240x16xf32, #tpu.memory_space<vmem_shared>> -> memref<128x16xf32, #tpu.memory_space<vmem_shared>>
      %dma_start3A_44 = arith.constant 0 : i32
      %dma_start3A_45 = tpu.memref_slice %arg7[%add3A_28, %dma_start3A_44] : memref<10240x16xf32, #tpu.memory_space<vmem_shared>> -> memref<128x16xf32, #tpu.memory_space<vmem_shared>>
      tpu.enqueue_dma source(%arg6 : memref<128x16xf32, #tpu.memory_space<vmem>>) target(%dma_start3A_45 : memref<128x16xf32, #tpu.memory_space<vmem_shared>>) target_semaphore(%run_scoped3A : memref<!tpu.dma_semaphore, #tpu.memory_space<semaphore_mem>>)
      %dma_wait3A = arith.constant 0 : i32
      %dma_wait3A_46 = tpu.memref_slice %arg7[%add3A_28, %dma_wait3A] : memref<10240x16xf32, #tpu.memory_space<vmem_shared>> -> memref<128x16xf32, #tpu.memory_space<vmem_shared>>
      %dma_wait3A_47 = arith.constant 0 : i32
      %dma_wait3A_48 = tpu.memref_slice %arg7[%add3A_28, %dma_wait3A_47] : memref<10240x16xf32, #tpu.memory_space<vmem_shared>> -> memref<128x16xf32, #tpu.memory_space<vmem_shared>>
      tpu.wait_dma2 semaphore(%run_scoped3A : memref<!tpu.dma_semaphore, #tpu.memory_space<semaphore_mem>>) src(%arg6 : memref<128x16xf32, #tpu.memory_space<vmem>>) dst(%dma_wait3A_48 : memref<128x16xf32, #tpu.memory_space<vmem_shared>>)
      tpu.yield
    }) : () -> ()
    %mul3A_29 = arith.constant 640 : i32
    %mul3A_30 = arith.muli %arg1, %mul3A_29 : i32
    %add3A_31 = arith.constant 512 : i32
    %add3A_32 = arith.addi %mul3A_30, %add3A_31 : i32
    "tpu.region"() ({
      %run_scoped3A = tpu.sem_alloc : memref<!tpu.dma_semaphore, #tpu.memory_space<semaphore_mem>>
      %dma_start3A = arith.constant 0 : i32
      %dma_start3A_43 = tpu.memref_slice %arg7[%add3A_32, %dma_start3A] : memref<10240x16xf32, #tpu.memory_space<vmem_shared>> -> memref<128x16xf32, #tpu.memory_space<vmem_shared>>
      %dma_start3A_44 = arith.constant 0 : i32
      %dma_start3A_45 = tpu.memref_slice %arg7[%add3A_32, %dma_start3A_44] : memref<10240x16xf32, #tpu.memory_space<vmem_shared>> -> memref<128x16xf32, #tpu.memory_space<vmem_shared>>
      tpu.enqueue_dma source(%arg6 : memref<128x16xf32, #tpu.memory_space<vmem>>) target(%dma_start3A_45 : memref<128x16xf32, #tpu.memory_space<vmem_shared>>) target_semaphore(%run_scoped3A : memref<!tpu.dma_semaphore, #tpu.memory_space<semaphore_mem>>)
      %dma_wait3A = arith.constant 0 : i32
      %dma_wait3A_46 = tpu.memref_slice %arg7[%add3A_32, %dma_wait3A] : memref<10240x16xf32, #tpu.memory_space<vmem_shared>> -> memref<128x16xf32, #tpu.memory_space<vmem_shared>>
      %dma_wait3A_47 = arith.constant 0 : i32
      %dma_wait3A_48 = tpu.memref_slice %arg7[%add3A_32, %dma_wait3A_47] : memref<10240x16xf32, #tpu.memory_space<vmem_shared>> -> memref<128x16xf32, #tpu.memory_space<vmem_shared>>
      tpu.wait_dma2 semaphore(%run_scoped3A : memref<!tpu.dma_semaphore, #tpu.memory_space<semaphore_mem>>) src(%arg6 : memref<128x16xf32, #tpu.memory_space<vmem>>) dst(%dma_wait3A_48 : memref<128x16xf32, #tpu.memory_space<vmem_shared>>)
      tpu.yield
    }) : () -> ()
    %barrier3A = arith.constant 0 : index
    tpu.barrier barrier_id(%barrier3A)
    %scan3A_33 = arith.constant 0 : i32
    %scan3A_34 = arith.constant 125 : i32
    %scan3A_35 = arith.addi %scan3A_33, %scan3A_34 : i32
    %scan3A_36 = arith.constant 1 : i32
    scf.for %scan3A_43 = %scan3A_33 to %scan3A_35 step %scan3A_36  : i32 {
      %mul3A_44 = arith.constant 1 : i32
      %mul3A_45 = arith.muli %scan3A_43, %mul3A_44 : i32
      %add3A_46 = arith.constant 0 : i32
      %add3A_47 = arith.addi %add3A_46, %mul3A_45 : i32
      %mul3A_48 = arith.constant 10000 : i32
      %mul3A_49 = arith.muli %add3A, %mul3A_48 : i32
      %mul3A_50 = arith.constant 80 : i32
      %mul3A_51 = arith.muli %add3A_47, %mul3A_50 : i32
      %add3A_52 = arith.addi %mul3A_49, %mul3A_51 : i32
      "tpu.region"() ({
        %run_scoped3A = tpu.sem_alloc : memref<!tpu.dma_semaphore, #tpu.memory_space<semaphore_mem>>
        %dma_start3A = tpu.memref_slice %arg2[%add3A_52] : memref<320000xi32, #tpu.memory_space<hbm>> -> memref<80xi32, #tpu.memory_space<hbm>>
        %dma_start3A_53 = tpu.memref_slice %arg2[%add3A_52] : memref<320000xi32, #tpu.memory_space<hbm>> -> memref<80xi32, #tpu.memory_space<hbm>>
        tpu.enqueue_dma source(%dma_start3A_53 : memref<80xi32, #tpu.memory_space<hbm>>) target(%arg4 : memref<80xi32, #tpu.memory_space<vmem>>) target_semaphore(%run_scoped3A : memref<!tpu.dma_semaphore, #tpu.memory_space<semaphore_mem>>)
        %dma_wait3A = tpu.memref_slice %arg2[%add3A_52] : memref<320000xi32, #tpu.memory_space<hbm>> -> memref<80xi32, #tpu.memory_space<hbm>>
        %dma_wait3A_54 = tpu.memref_slice %arg2[%add3A_52] : memref<320000xi32, #tpu.memory_space<hbm>> -> memref<80xi32, #tpu.memory_space<hbm>>
        tpu.wait_dma2 semaphore(%run_scoped3A : memref<!tpu.dma_semaphore, #tpu.memory_space<semaphore_mem>>) src(%dma_wait3A_54 : memref<80xi32, #tpu.memory_space<hbm>>) dst(%arg4 : memref<80xi32, #tpu.memory_space<vmem>>)
        tpu.yield
      }) : () -> ()
      "tpu.region"() ({
        %run_scoped3A = tpu.sem_alloc : memref<!tpu.dma_semaphore, #tpu.memory_space<semaphore_mem>>
        %dma_start3A = arith.constant 0 : i32
        %dma_start3A_53 = arith.constant 0 : i32
        %dma_start3A_54 = tpu.memref_slice %arg7[%dma_start3A, %dma_start3A_53] : memref<10240x16xf32, #tpu.memory_space<vmem_shared>> -> memref<10240x16xf32, #tpu.memory_space<vmem_shared>>
        tpu.enqueue_indirect_dma source(%arg5 : memref<80x16xf32, #tpu.memory_space<vmem>>) target(%dma_start3A_54 : memref<10240x16xf32, #tpu.memory_space<vmem_shared>>) offsets(%arg4 : memref<80xi32, #tpu.memory_space<vmem>>) semaphore(%run_scoped3A : memref<!tpu.dma_semaphore, #tpu.memory_space<semaphore_mem>>) {add = true}
        %dma_wait3A = arith.constant 0 : i32
        %dma_wait3A_55 = arith.constant 0 : i32
        %dma_wait3A_56 = tpu.memref_slice %arg7[%dma_wait3A, %dma_wait3A_55] : memref<10240x16xf32, #tpu.memory_space<vmem_shared>> -> memref<10240x16xf32, #tpu.memory_space<vmem_shared>>
        tpu.wait_indirect_dma semaphore(%run_scoped3A : memref<!tpu.dma_semaphore, #tpu.memory_space<semaphore_mem>>) src(%arg5 : memref<80x16xf32, #tpu.memory_space<vmem>>) dst(%dma_wait3A_56 : memref<10240x16xf32, #tpu.memory_space<vmem_shared>>)
        tpu.yield
      }) : () -> ()
    }
    %scan3A_37 = arith.constant 125 : i32
    %barrier3A_38 = arith.constant 0 : index
    tpu.barrier barrier_id(%barrier3A_38)
    %mul3A_39 = arith.constant 640 : i32
    %mul3A_40 = arith.muli %arg1, %mul3A_39 : i32
    %mul3A_41 = arith.constant 640 : i32
    %mul3A_42 = arith.muli %arg1, %mul3A_41 : i32
    "tpu.region"() ({
      %run_scoped3A = tpu.sem_alloc : memref<!tpu.dma_semaphore, #tpu.memory_space<semaphore_mem>>
      %dma_start3A = arith.constant 0 : i32
      %dma_start3A_43 = tpu.memref_slice %arg3[%arg0, %mul3A_42, %dma_start3A] : memref<2x10240x16xf32, #tpu.memory_space<hbm>> -> memref<1x640x16xf32, #tpu.memory_space<hbm>>
      %dma_start3A_44 = tpu.memref_squeeze %dma_start3A_43 : memref<1x640x16xf32, #tpu.memory_space<hbm>> -> memref<640x16xf32, #tpu.memory_space<hbm>>
      %dma_start3A_45 = arith.constant 0 : i32
      %dma_start3A_46 = tpu.memref_slice %arg7[%mul3A_40, %dma_start3A_45] : memref<10240x16xf32, #tpu.memory_space<vmem_shared>> -> memref<640x16xf32, #tpu.memory_space<vmem_shared>>
      tpu.enqueue_dma source(%dma_start3A_46 : memref<640x16xf32, #tpu.memory_space<vmem_shared>>) target(%dma_start3A_44 : memref<640x16xf32, #tpu.memory_space<hbm>>) target_semaphore(%run_scoped3A : memref<!tpu.dma_semaphore, #tpu.memory_space<semaphore_mem>>)
      %dma_wait3A = arith.constant 0 : i32
      %dma_wait3A_47 = tpu.memref_slice %arg3[%arg0, %mul3A_42, %dma_wait3A] : memref<2x10240x16xf32, #tpu.memory_space<hbm>> -> memref<1x640x16xf32, #tpu.memory_space<hbm>>
      %dma_wait3A_48 = tpu.memref_squeeze %dma_wait3A_47 : memref<1x640x16xf32, #tpu.memory_space<hbm>> -> memref<640x16xf32, #tpu.memory_space<hbm>>
      %dma_wait3A_49 = arith.constant 0 : i32
      %dma_wait3A_50 = tpu.memref_slice %arg7[%mul3A_40, %dma_wait3A_49] : memref<10240x16xf32, #tpu.memory_space<vmem_shared>> -> memref<640x16xf32, #tpu.memory_space<vmem_shared>>
      tpu.wait_dma2 semaphore(%run_scoped3A : memref<!tpu.dma_semaphore, #tpu.memory_space<semaphore_mem>>) src(%dma_wait3A_50 : memref<640x16xf32, #tpu.memory_space<vmem_shared>>) dst(%dma_wait3A_48 : memref<640x16xf32, #tpu.memory_space<hbm>>)
      tpu.yield
    }) : () -> ()
    return
  }
}

#map = affine_map<(d0, d1) -> (0, 0)>
#map1 = affine_map<(d0, d1) -> (0)>
#map2 = affine_map<(d0, d1) -> (0, 0, 0)>
module attributes {stable_mosaic.version = 14 : i64} {
  func.func @_sc_scatter(%arg0: i32, %arg1: i32, %arg2: memref<10000x64xf32, #tpu.memory_space<hbm>>, %arg3: memref<320000xi32, #tpu.memory_space<hbm>>, %arg4: memref<320000xi32, #tpu.memory_space<hbm>>, %arg5: memref<2x10240x64xf32, #tpu.memory_space<hbm>>, %arg6: memref<80xi32, #tpu.memory_space<vmem>>, %arg7: memref<80xi32, #tpu.memory_space<vmem>>, %arg8: memref<80x64xf32, #tpu.memory_space<vmem>>, %arg9: memref<128x64xf32, #tpu.memory_space<vmem>>, %arg10: memref<10240x64xf32, #tpu.memory_space<vmem_shared>>) attributes {dimension_semantics = [#tpu.dimension_semantics<core_parallel>, #tpu.dimension_semantics<subcore_parallel>], iteration_bounds = array<i64: 2, 16>, scalar_prefetch = 0 : i64, scratch_operands = 5 : i64, tpu.core_type = #tpu.core_type<sc_vector_subcore>, window_params = [{transform_indices = #map}, {transform_indices = #map1}, {transform_indices = #map1}, {transform_indices = #map2}]} {
    %mul3A = arith.constant 16 : i32
    %mul3A_0 = arith.muli %arg0, %mul3A : i32
    %add3A = arith.addi %mul3A_0, %arg1 : i32
    %broadcast_in_dim3A = arith.constant 0.000000e+00 : f32
    %broadcast_in_dim3A_1 = vector.broadcast %broadcast_in_dim3A : f32 to vector<16xf32>
    %scan3A = arith.constant 0 : i32
    %scan3A_2 = arith.constant 128 : i32
    %scan3A_3 = arith.addi %scan3A, %scan3A_2 : i32
    %scan3A_4 = arith.constant 1 : i32
    scf.for %scan3A_36 = %scan3A to %scan3A_3 step %scan3A_4  : i32 {
      %mul3A_37 = arith.constant 1 : i32
      %mul3A_38 = arith.muli %scan3A_36, %mul3A_37 : i32
      %add3A_39 = arith.constant 0 : i32
      %add3A_40 = arith.addi %add3A_39, %mul3A_38 : i32
      %swap3A = arith.index_cast %add3A_40 : i32 to index
      %swap3A_41 = arith.constant 0 : index
      %swap3A_42 = tpu.vector_load %arg9[%swap3A, %swap3A_41] {strides = array<i32>} : memref<128x64xf32, #tpu.memory_space<vmem>>, vector<1x16xf32>,
      %swap3A_43 = vector.shape_cast %swap3A_42 : vector<1x16xf32> to vector<16xf32>
      %swap3A_44 = vector.shape_cast %broadcast_in_dim3A_1 : vector<16xf32> to vector<1x16xf32>
      tpu.vector_store %arg9[%swap3A, %swap3A_41], %swap3A_44 {strides = array<i32>} : memref<128x64xf32, #tpu.memory_space<vmem>>, vector<1x16xf32>,
      %swap3A_45 = arith.index_cast %add3A_40 : i32 to index
      %swap3A_46 = arith.constant 16 : index
      %swap3A_47 = tpu.vector_load %arg9[%swap3A_45, %swap3A_46] {strides = array<i32>} : memref<128x64xf32, #tpu.memory_space<vmem>>, vector<1x16xf32>,
      %swap3A_48 = vector.shape_cast %swap3A_47 : vector<1x16xf32> to vector<16xf32>
      %swap3A_49 = vector.shape_cast %broadcast_in_dim3A_1 : vector<16xf32> to vector<1x16xf32>
      tpu.vector_store %arg9[%swap3A_45, %swap3A_46], %swap3A_49 {strides = array<i32>} : memref<128x64xf32, #tpu.memory_space<vmem>>, vector<1x16xf32>,
      %swap3A_50 = arith.index_cast %add3A_40 : i32 to index
      %swap3A_51 = arith.constant 32 : index
      %swap3A_52 = tpu.vector_load %arg9[%swap3A_50, %swap3A_51] {strides = array<i32>} : memref<128x64xf32, #tpu.memory_space<vmem>>, vector<1x16xf32>,
      %swap3A_53 = vector.shape_cast %swap3A_52 : vector<1x16xf32> to vector<16xf32>
      %swap3A_54 = vector.shape_cast %broadcast_in_dim3A_1 : vector<16xf32> to vector<1x16xf32>
      tpu.vector_store %arg9[%swap3A_50, %swap3A_51], %swap3A_54 {strides = array<i32>} : memref<128x64xf32, #tpu.memory_space<vmem>>, vector<1x16xf32>,
      %swap3A_55 = arith.index_cast %add3A_40 : i32 to index
      %swap3A_56 = arith.constant 48 : index
      %swap3A_57 = tpu.vector_load %arg9[%swap3A_55, %swap3A_56] {strides = array<i32>} : memref<128x64xf32, #tpu.memory_space<vmem>>, vector<1x16xf32>,
      %swap3A_58 = vector.shape_cast %swap3A_57 : vector<1x16xf32> to vector<16xf32>
      %swap3A_59 = vector.shape_cast %broadcast_in_dim3A_1 : vector<16xf32> to vector<1x16xf32>
      tpu.vector_store %arg9[%swap3A_55, %swap3A_56], %swap3A_59 {strides = array<i32>} : memref<128x64xf32, #tpu.memory_space<vmem>>, vector<1x16xf32>,
    }
    %scan3A_5 = arith.constant 128 : i32
    %mul3A_6 = arith.constant 640 : i32
    %mul3A_7 = arith.muli %arg1, %mul3A_6 : i32
    %add3A_8 = arith.constant 0 : i32
    %add3A_9 = arith.addi %mul3A_7, %add3A_8 : i32
    "tpu.region"() ({
      %run_scoped3A = tpu.sem_alloc : memref<!tpu.dma_semaphore, #tpu.memory_space<semaphore_mem>>
      %dma_start3A = arith.constant 0 : i32
      %dma_start3A_36 = tpu.memref_slice %arg10[%add3A_9, %dma_start3A] : memref<10240x64xf32, #tpu.memory_space<vmem_shared>> -> memref<128x64xf32, #tpu.memory_space<vmem_shared>>
      %dma_start3A_37 = arith.constant 0 : i32
      %dma_start3A_38 = tpu.memref_slice %arg10[%add3A_9, %dma_start3A_37] : memref<10240x64xf32, #tpu.memory_space<vmem_shared>> -> memref<128x64xf32, #tpu.memory_space<vmem_shared>>
      tpu.enqueue_dma source(%arg9 : memref<128x64xf32, #tpu.memory_space<vmem>>) target(%dma_start3A_38 : memref<128x64xf32, #tpu.memory_space<vmem_shared>>) target_semaphore(%run_scoped3A : memref<!tpu.dma_semaphore, #tpu.memory_space<semaphore_mem>>)
      %dma_wait3A = arith.constant 0 : i32
      %dma_wait3A_39 = tpu.memref_slice %arg10[%add3A_9, %dma_wait3A] : memref<10240x64xf32, #tpu.memory_space<vmem_shared>> -> memref<128x64xf32, #tpu.memory_space<vmem_shared>>
      %dma_wait3A_40 = arith.constant 0 : i32
      %dma_wait3A_41 = tpu.memref_slice %arg10[%add3A_9, %dma_wait3A_40] : memref<10240x64xf32, #tpu.memory_space<vmem_shared>> -> memref<128x64xf32, #tpu.memory_space<vmem_shared>>
      tpu.wait_dma2 semaphore(%run_scoped3A : memref<!tpu.dma_semaphore, #tpu.memory_space<semaphore_mem>>) src(%arg9 : memref<128x64xf32, #tpu.memory_space<vmem>>) dst(%dma_wait3A_41 : memref<128x64xf32, #tpu.memory_space<vmem_shared>>)
      tpu.yield
    }) : () -> ()
    %mul3A_10 = arith.constant 640 : i32
    %mul3A_11 = arith.muli %arg1, %mul3A_10 : i32
    %add3A_12 = arith.constant 128 : i32
    %add3A_13 = arith.addi %mul3A_11, %add3A_12 : i32
    "tpu.region"() ({
      %run_scoped3A = tpu.sem_alloc : memref<!tpu.dma_semaphore, #tpu.memory_space<semaphore_mem>>
      %dma_start3A = arith.constant 0 : i32
      %dma_start3A_36 = tpu.memref_slice %arg10[%add3A_13, %dma_start3A] : memref<10240x64xf32, #tpu.memory_space<vmem_shared>> -> memref<128x64xf32, #tpu.memory_space<vmem_shared>>
      %dma_start3A_37 = arith.constant 0 : i32
      %dma_start3A_38 = tpu.memref_slice %arg10[%add3A_13, %dma_start3A_37] : memref<10240x64xf32, #tpu.memory_space<vmem_shared>> -> memref<128x64xf32, #tpu.memory_space<vmem_shared>>
      tpu.enqueue_dma source(%arg9 : memref<128x64xf32, #tpu.memory_space<vmem>>) target(%dma_start3A_38 : memref<128x64xf32, #tpu.memory_space<vmem_shared>>) target_semaphore(%run_scoped3A : memref<!tpu.dma_semaphore, #tpu.memory_space<semaphore_mem>>)
      %dma_wait3A = arith.constant 0 : i32
      %dma_wait3A_39 = tpu.memref_slice %arg10[%add3A_13, %dma_wait3A] : memref<10240x64xf32, #tpu.memory_space<vmem_shared>> -> memref<128x64xf32, #tpu.memory_space<vmem_shared>>
      %dma_wait3A_40 = arith.constant 0 : i32
      %dma_wait3A_41 = tpu.memref_slice %arg10[%add3A_13, %dma_wait3A_40] : memref<10240x64xf32, #tpu.memory_space<vmem_shared>> -> memref<128x64xf32, #tpu.memory_space<vmem_shared>>
      tpu.wait_dma2 semaphore(%run_scoped3A : memref<!tpu.dma_semaphore, #tpu.memory_space<semaphore_mem>>) src(%arg9 : memref<128x64xf32, #tpu.memory_space<vmem>>) dst(%dma_wait3A_41 : memref<128x64xf32, #tpu.memory_space<vmem_shared>>)
      tpu.yield
    }) : () -> ()
    %mul3A_14 = arith.constant 640 : i32
    %mul3A_15 = arith.muli %arg1, %mul3A_14 : i32
    %add3A_16 = arith.constant 256 : i32
    %add3A_17 = arith.addi %mul3A_15, %add3A_16 : i32
    "tpu.region"() ({
      %run_scoped3A = tpu.sem_alloc : memref<!tpu.dma_semaphore, #tpu.memory_space<semaphore_mem>>
      %dma_start3A = arith.constant 0 : i32
      %dma_start3A_36 = tpu.memref_slice %arg10[%add3A_17, %dma_start3A] : memref<10240x64xf32, #tpu.memory_space<vmem_shared>> -> memref<128x64xf32, #tpu.memory_space<vmem_shared>>
      %dma_start3A_37 = arith.constant 0 : i32
      %dma_start3A_38 = tpu.memref_slice %arg10[%add3A_17, %dma_start3A_37] : memref<10240x64xf32, #tpu.memory_space<vmem_shared>> -> memref<128x64xf32, #tpu.memory_space<vmem_shared>>
      tpu.enqueue_dma source(%arg9 : memref<128x64xf32, #tpu.memory_space<vmem>>) target(%dma_start3A_38 : memref<128x64xf32, #tpu.memory_space<vmem_shared>>) target_semaphore(%run_scoped3A : memref<!tpu.dma_semaphore, #tpu.memory_space<semaphore_mem>>)
      %dma_wait3A = arith.constant 0 : i32
      %dma_wait3A_39 = tpu.memref_slice %arg10[%add3A_17, %dma_wait3A] : memref<10240x64xf32, #tpu.memory_space<vmem_shared>> -> memref<128x64xf32, #tpu.memory_space<vmem_shared>>
      %dma_wait3A_40 = arith.constant 0 : i32
      %dma_wait3A_41 = tpu.memref_slice %arg10[%add3A_17, %dma_wait3A_40] : memref<10240x64xf32, #tpu.memory_space<vmem_shared>> -> memref<128x64xf32, #tpu.memory_space<vmem_shared>>
      tpu.wait_dma2 semaphore(%run_scoped3A : memref<!tpu.dma_semaphore, #tpu.memory_space<semaphore_mem>>) src(%arg9 : memref<128x64xf32, #tpu.memory_space<vmem>>) dst(%dma_wait3A_41 : memref<128x64xf32, #tpu.memory_space<vmem_shared>>)
      tpu.yield
    }) : () -> ()
    %mul3A_18 = arith.constant 640 : i32
    %mul3A_19 = arith.muli %arg1, %mul3A_18 : i32
    %add3A_20 = arith.constant 384 : i32
    %add3A_21 = arith.addi %mul3A_19, %add3A_20 : i32
    "tpu.region"() ({
      %run_scoped3A = tpu.sem_alloc : memref<!tpu.dma_semaphore, #tpu.memory_space<semaphore_mem>>
      %dma_start3A = arith.constant 0 : i32
      %dma_start3A_36 = tpu.memref_slice %arg10[%add3A_21, %dma_start3A] : memref<10240x64xf32, #tpu.memory_space<vmem_shared>> -> memref<128x64xf32, #tpu.memory_space<vmem_shared>>
      %dma_start3A_37 = arith.constant 0 : i32
      %dma_start3A_38 = tpu.memref_slice %arg10[%add3A_21, %dma_start3A_37] : memref<10240x64xf32, #tpu.memory_space<vmem_shared>> -> memref<128x64xf32, #tpu.memory_space<vmem_shared>>
      tpu.enqueue_dma source(%arg9 : memref<128x64xf32, #tpu.memory_space<vmem>>) target(%dma_start3A_38 : memref<128x64xf32, #tpu.memory_space<vmem_shared>>) target_semaphore(%run_scoped3A : memref<!tpu.dma_semaphore, #tpu.memory_space<semaphore_mem>>)
      %dma_wait3A = arith.constant 0 : i32
      %dma_wait3A_39 = tpu.memref_slice %arg10[%add3A_21, %dma_wait3A] : memref<10240x64xf32, #tpu.memory_space<vmem_shared>> -> memref<128x64xf32, #tpu.memory_space<vmem_shared>>
      %dma_wait3A_40 = arith.constant 0 : i32
      %dma_wait3A_41 = tpu.memref_slice %arg10[%add3A_21, %dma_wait3A_40] : memref<10240x64xf32, #tpu.memory_space<vmem_shared>> -> memref<128x64xf32, #tpu.memory_space<vmem_shared>>
      tpu.wait_dma2 semaphore(%run_scoped3A : memref<!tpu.dma_semaphore, #tpu.memory_space<semaphore_mem>>) src(%arg9 : memref<128x64xf32, #tpu.memory_space<vmem>>) dst(%dma_wait3A_41 : memref<128x64xf32, #tpu.memory_space<vmem_shared>>)
      tpu.yield
    }) : () -> ()
    %mul3A_22 = arith.constant 640 : i32
    %mul3A_23 = arith.muli %arg1, %mul3A_22 : i32
    %add3A_24 = arith.constant 512 : i32
    %add3A_25 = arith.addi %mul3A_23, %add3A_24 : i32
    "tpu.region"() ({
      %run_scoped3A = tpu.sem_alloc : memref<!tpu.dma_semaphore, #tpu.memory_space<semaphore_mem>>
      %dma_start3A = arith.constant 0 : i32
      %dma_start3A_36 = tpu.memref_slice %arg10[%add3A_25, %dma_start3A] : memref<10240x64xf32, #tpu.memory_space<vmem_shared>> -> memref<128x64xf32, #tpu.memory_space<vmem_shared>>
      %dma_start3A_37 = arith.constant 0 : i32
      %dma_start3A_38 = tpu.memref_slice %arg10[%add3A_25, %dma_start3A_37] : memref<10240x64xf32, #tpu.memory_space<vmem_shared>> -> memref<128x64xf32, #tpu.memory_space<vmem_shared>>
      tpu.enqueue_dma source(%arg9 : memref<128x64xf32, #tpu.memory_space<vmem>>) target(%dma_start3A_38 : memref<128x64xf32, #tpu.memory_space<vmem_shared>>) target_semaphore(%run_scoped3A : memref<!tpu.dma_semaphore, #tpu.memory_space<semaphore_mem>>)
      %dma_wait3A = arith.constant 0 : i32
      %dma_wait3A_39 = tpu.memref_slice %arg10[%add3A_25, %dma_wait3A] : memref<10240x64xf32, #tpu.memory_space<vmem_shared>> -> memref<128x64xf32, #tpu.memory_space<vmem_shared>>
      %dma_wait3A_40 = arith.constant 0 : i32
      %dma_wait3A_41 = tpu.memref_slice %arg10[%add3A_25, %dma_wait3A_40] : memref<10240x64xf32, #tpu.memory_space<vmem_shared>> -> memref<128x64xf32, #tpu.memory_space<vmem_shared>>
      tpu.wait_dma2 semaphore(%run_scoped3A : memref<!tpu.dma_semaphore, #tpu.memory_space<semaphore_mem>>) src(%arg9 : memref<128x64xf32, #tpu.memory_space<vmem>>) dst(%dma_wait3A_41 : memref<128x64xf32, #tpu.memory_space<vmem_shared>>)
      tpu.yield
    }) : () -> ()
    %barrier3A = arith.constant 0 : index
    tpu.barrier barrier_id(%barrier3A)
    %scan3A_26 = arith.constant 0 : i32
    %scan3A_27 = arith.constant 125 : i32
    %scan3A_28 = arith.addi %scan3A_26, %scan3A_27 : i32
    %scan3A_29 = arith.constant 1 : i32
    scf.for %scan3A_36 = %scan3A_26 to %scan3A_28 step %scan3A_29  : i32 {
      %mul3A_37 = arith.constant 1 : i32
      %mul3A_38 = arith.muli %scan3A_36, %mul3A_37 : i32
      %add3A_39 = arith.constant 0 : i32
      %add3A_40 = arith.addi %add3A_39, %mul3A_38 : i32
      %mul3A_41 = arith.constant 10000 : i32
      %mul3A_42 = arith.muli %add3A, %mul3A_41 : i32
      %mul3A_43 = arith.constant 80 : i32
      %mul3A_44 = arith.muli %add3A_40, %mul3A_43 : i32
      %add3A_45 = arith.addi %mul3A_42, %mul3A_44 : i32
      "tpu.region"() ({
        %run_scoped3A = tpu.sem_alloc : memref<!tpu.dma_semaphore, #tpu.memory_space<semaphore_mem>>
        %dma_start3A = tpu.memref_slice %arg3[%add3A_45] : memref<320000xi32, #tpu.memory_space<hbm>> -> memref<80xi32, #tpu.memory_space<hbm>>
        %dma_start3A_46 = tpu.memref_slice %arg3[%add3A_45] : memref<320000xi32, #tpu.memory_space<hbm>> -> memref<80xi32, #tpu.memory_space<hbm>>
        tpu.enqueue_dma source(%dma_start3A_46 : memref<80xi32, #tpu.memory_space<hbm>>) target(%arg6 : memref<80xi32, #tpu.memory_space<vmem>>) target_semaphore(%run_scoped3A : memref<!tpu.dma_semaphore, #tpu.memory_space<semaphore_mem>>)
        %dma_wait3A = tpu.memref_slice %arg3[%add3A_45] : memref<320000xi32, #tpu.memory_space<hbm>> -> memref<80xi32, #tpu.memory_space<hbm>>
        %dma_wait3A_47 = tpu.memref_slice %arg3[%add3A_45] : memref<320000xi32, #tpu.memory_space<hbm>> -> memref<80xi32, #tpu.memory_space<hbm>>
        tpu.wait_dma2 semaphore(%run_scoped3A : memref<!tpu.dma_semaphore, #tpu.memory_space<semaphore_mem>>) src(%dma_wait3A_47 : memref<80xi32, #tpu.memory_space<hbm>>) dst(%arg6 : memref<80xi32, #tpu.memory_space<vmem>>)
        tpu.yield
      }) : () -> ()
      "tpu.region"() ({
        %run_scoped3A = tpu.sem_alloc : memref<!tpu.dma_semaphore, #tpu.memory_space<semaphore_mem>>
        %dma_start3A = tpu.memref_slice %arg4[%add3A_45] : memref<320000xi32, #tpu.memory_space<hbm>> -> memref<80xi32, #tpu.memory_space<hbm>>
        %dma_start3A_46 = tpu.memref_slice %arg4[%add3A_45] : memref<320000xi32, #tpu.memory_space<hbm>> -> memref<80xi32, #tpu.memory_space<hbm>>
        tpu.enqueue_dma source(%dma_start3A_46 : memref<80xi32, #tpu.memory_space<hbm>>) target(%arg7 : memref<80xi32, #tpu.memory_space<vmem>>) target_semaphore(%run_scoped3A : memref<!tpu.dma_semaphore, #tpu.memory_space<semaphore_mem>>)
        %dma_wait3A = tpu.memref_slice %arg4[%add3A_45] : memref<320000xi32, #tpu.memory_space<hbm>> -> memref<80xi32, #tpu.memory_space<hbm>>
        %dma_wait3A_47 = tpu.memref_slice %arg4[%add3A_45] : memref<320000xi32, #tpu.memory_space<hbm>> -> memref<80xi32, #tpu.memory_space<hbm>>
        tpu.wait_dma2 semaphore(%run_scoped3A : memref<!tpu.dma_semaphore, #tpu.memory_space<semaphore_mem>>) src(%dma_wait3A_47 : memref<80xi32, #tpu.memory_space<hbm>>) dst(%arg7 : memref<80xi32, #tpu.memory_space<vmem>>)
        tpu.yield
      }) : () -> ()
      "tpu.region"() ({
        %run_scoped3A = tpu.sem_alloc : memref<!tpu.dma_semaphore, #tpu.memory_space<semaphore_mem>>
        %dma_start3A = arith.constant 0 : i32
        %dma_start3A_46 = arith.constant 0 : i32
        %dma_start3A_47 = tpu.memref_slice %arg2[%dma_start3A, %dma_start3A_46] : memref<10000x64xf32, #tpu.memory_space<hbm>> -> memref<10000x64xf32, #tpu.memory_space<hbm>>
        tpu.enqueue_indirect_dma source(%dma_start3A_47 : memref<10000x64xf32, #tpu.memory_space<hbm>>) target(%arg8 : memref<80x64xf32, #tpu.memory_space<vmem>>) offsets(%arg6 : memref<80xi32, #tpu.memory_space<vmem>>) semaphore(%run_scoped3A : memref<!tpu.dma_semaphore, #tpu.memory_space<semaphore_mem>>)
        %dma_wait3A = arith.constant 0 : i32
        %dma_wait3A_48 = arith.constant 0 : i32
        %dma_wait3A_49 = tpu.memref_slice %arg2[%dma_wait3A, %dma_wait3A_48] : memref<10000x64xf32, #tpu.memory_space<hbm>> -> memref<10000x64xf32, #tpu.memory_space<hbm>>
        tpu.wait_indirect_dma semaphore(%run_scoped3A : memref<!tpu.dma_semaphore, #tpu.memory_space<semaphore_mem>>) src(%dma_wait3A_49 : memref<10000x64xf32, #tpu.memory_space<hbm>>) dst(%arg8 : memref<80x64xf32, #tpu.memory_space<vmem>>)
        tpu.yield
      }) : () -> ()
      "tpu.region"() ({
        %run_scoped3A = tpu.sem_alloc : memref<!tpu.dma_semaphore, #tpu.memory_space<semaphore_mem>>
        %dma_start3A = arith.constant 0 : i32
        %dma_start3A_46 = arith.constant 0 : i32
        %dma_start3A_47 = tpu.memref_slice %arg10[%dma_start3A, %dma_start3A_46] : memref<10240x64xf32, #tpu.memory_space<vmem_shared>> -> memref<10240x64xf32, #tpu.memory_space<vmem_shared>>
        tpu.enqueue_indirect_dma source(%arg8 : memref<80x64xf32, #tpu.memory_space<vmem>>) target(%dma_start3A_47 : memref<10240x64xf32, #tpu.memory_space<vmem_shared>>) offsets(%arg7 : memref<80xi32, #tpu.memory_space<vmem>>) semaphore(%run_scoped3A : memref<!tpu.dma_semaphore, #tpu.memory_space<semaphore_mem>>) {add = true}
        %dma_wait3A = arith.constant 0 : i32
        %dma_wait3A_48 = arith.constant 0 : i32
        %dma_wait3A_49 = tpu.memref_slice %arg10[%dma_wait3A, %dma_wait3A_48] : memref<10240x64xf32, #tpu.memory_space<vmem_shared>> -> memref<10240x64xf32, #tpu.memory_space<vmem_shared>>
        tpu.wait_indirect_dma semaphore(%run_scoped3A : memref<!tpu.dma_semaphore, #tpu.memory_space<semaphore_mem>>) src(%arg8 : memref<80x64xf32, #tpu.memory_space<vmem>>) dst(%dma_wait3A_49 : memref<10240x64xf32, #tpu.memory_space<vmem_shared>>)
        tpu.yield
      }) : () -> ()
    }
    %scan3A_30 = arith.constant 125 : i32
    %barrier3A_31 = arith.constant 0 : index
    tpu.barrier barrier_id(%barrier3A_31)
    %mul3A_32 = arith.constant 640 : i32
    %mul3A_33 = arith.muli %arg1, %mul3A_32 : i32
    %mul3A_34 = arith.constant 640 : i32
    %mul3A_35 = arith.muli %arg1, %mul3A_34 : i32
    "tpu.region"() ({
      %run_scoped3A = tpu.sem_alloc : memref<!tpu.dma_semaphore, #tpu.memory_space<semaphore_mem>>
      %dma_start3A = arith.constant 0 : i32
      %dma_start3A_36 = tpu.memref_slice %arg5[%arg0, %mul3A_35, %dma_start3A] : memref<2x10240x64xf32, #tpu.memory_space<hbm>> -> memref<1x640x64xf32, #tpu.memory_space<hbm>>
      %dma_start3A_37 = tpu.memref_squeeze %dma_start3A_36 : memref<1x640x64xf32, #tpu.memory_space<hbm>> -> memref<640x64xf32, #tpu.memory_space<hbm>>
      %dma_start3A_38 = arith.constant 0 : i32
      %dma_start3A_39 = tpu.memref_slice %arg10[%mul3A_33, %dma_start3A_38] : memref<10240x64xf32, #tpu.memory_space<vmem_shared>> -> memref<640x64xf32, #tpu.memory_space<vmem_shared>>
      tpu.enqueue_dma source(%dma_start3A_39 : memref<640x64xf32, #tpu.memory_space<vmem_shared>>) target(%dma_start3A_37 : memref<640x64xf32, #tpu.memory_space<hbm>>) target_semaphore(%run_scoped3A : memref<!tpu.dma_semaphore, #tpu.memory_space<semaphore_mem>>)
      %dma_wait3A = arith.constant 0 : i32
      %dma_wait3A_40 = tpu.memref_slice %arg5[%arg0, %mul3A_35, %dma_wait3A] : memref<2x10240x64xf32, #tpu.memory_space<hbm>> -> memref<1x640x64xf32, #tpu.memory_space<hbm>>
      %dma_wait3A_41 = tpu.memref_squeeze %dma_wait3A_40 : memref<1x640x64xf32, #tpu.memory_space<hbm>> -> memref<640x64xf32, #tpu.memory_space<hbm>>
      %dma_wait3A_42 = arith.constant 0 : i32
      %dma_wait3A_43 = tpu.memref_slice %arg10[%mul3A_33, %dma_wait3A_42] : memref<10240x64xf32, #tpu.memory_space<vmem_shared>> -> memref<640x64xf32, #tpu.memory_space<vmem_shared>>
      tpu.wait_dma2 semaphore(%run_scoped3A : memref<!tpu.dma_semaphore, #tpu.memory_space<semaphore_mem>>) src(%dma_wait3A_43 : memref<640x64xf32, #tpu.memory_space<vmem_shared>>) dst(%dma_wait3A_41 : memref<640x64xf32, #tpu.memory_space<hbm>>)
      tpu.yield
    }) : () -> ()
    return
  }
}

#map = affine_map<(d0, d1) -> (0, 0)>
#map1 = affine_map<(d0, d1) -> (0)>
#map2 = affine_map<(d0, d1) -> (0, 0, 0)>
module attributes {stable_mosaic.version = 14 : i64} {
  func.func @_sc_scatter(%arg0: i32, %arg1: i32, %arg2: memref<10000x32xf32, #tpu.memory_space<hbm>>, %arg3: memref<320000xi32, #tpu.memory_space<hbm>>, %arg4: memref<320000xi32, #tpu.memory_space<hbm>>, %arg5: memref<2x10240x32xf32, #tpu.memory_space<hbm>>, %arg6: memref<80xi32, #tpu.memory_space<vmem>>, %arg7: memref<80xi32, #tpu.memory_space<vmem>>, %arg8: memref<80x32xf32, #tpu.memory_space<vmem>>, %arg9: memref<128x32xf32, #tpu.memory_space<vmem>>, %arg10: memref<10240x32xf32, #tpu.memory_space<vmem_shared>>) attributes {dimension_semantics = [#tpu.dimension_semantics<core_parallel>, #tpu.dimension_semantics<subcore_parallel>], iteration_bounds = array<i64: 2, 16>, scalar_prefetch = 0 : i64, scratch_operands = 5 : i64, tpu.core_type = #tpu.core_type<sc_vector_subcore>, window_params = [{transform_indices = #map}, {transform_indices = #map1}, {transform_indices = #map1}, {transform_indices = #map2}]} {
    %mul3A = arith.constant 16 : i32
    %mul3A_0 = arith.muli %arg0, %mul3A : i32
    %add3A = arith.addi %mul3A_0, %arg1 : i32
    %broadcast_in_dim3A = arith.constant 0.000000e+00 : f32
    %broadcast_in_dim3A_1 = vector.broadcast %broadcast_in_dim3A : f32 to vector<16xf32>
    %scan3A = arith.constant 0 : i32
    %scan3A_2 = arith.constant 128 : i32
    %scan3A_3 = arith.addi %scan3A, %scan3A_2 : i32
    %scan3A_4 = arith.constant 1 : i32
    scf.for %scan3A_36 = %scan3A to %scan3A_3 step %scan3A_4  : i32 {
      %mul3A_37 = arith.constant 1 : i32
      %mul3A_38 = arith.muli %scan3A_36, %mul3A_37 : i32
      %add3A_39 = arith.constant 0 : i32
      %add3A_40 = arith.addi %add3A_39, %mul3A_38 : i32
      %swap3A = arith.index_cast %add3A_40 : i32 to index
      %swap3A_41 = arith.constant 0 : index
      %swap3A_42 = tpu.vector_load %arg9[%swap3A, %swap3A_41] {strides = array<i32>} : memref<128x32xf32, #tpu.memory_space<vmem>>, vector<1x16xf32>,
      %swap3A_43 = vector.shape_cast %swap3A_42 : vector<1x16xf32> to vector<16xf32>
      %swap3A_44 = vector.shape_cast %broadcast_in_dim3A_1 : vector<16xf32> to vector<1x16xf32>
      tpu.vector_store %arg9[%swap3A, %swap3A_41], %swap3A_44 {strides = array<i32>} : memref<128x32xf32, #tpu.memory_space<vmem>>, vector<1x16xf32>,
      %swap3A_45 = arith.index_cast %add3A_40 : i32 to index
      %swap3A_46 = arith.constant 16 : index
      %swap3A_47 = tpu.vector_load %arg9[%swap3A_45, %swap3A_46] {strides = array<i32>} : memref<128x32xf32, #tpu.memory_space<vmem>>, vector<1x16xf32>,
      %swap3A_48 = vector.shape_cast %swap3A_47 : vector<1x16xf32> to vector<16xf32>
      %swap3A_49 = vector.shape_cast %broadcast_in_dim3A_1 : vector<16xf32> to vector<1x16xf32>
      tpu.vector_store %arg9[%swap3A_45, %swap3A_46], %swap3A_49 {strides = array<i32>} : memref<128x32xf32, #tpu.memory_space<vmem>>, vector<1x16xf32>,
    }
    %scan3A_5 = arith.constant 128 : i32
    %mul3A_6 = arith.constant 640 : i32
    %mul3A_7 = arith.muli %arg1, %mul3A_6 : i32
    %add3A_8 = arith.constant 0 : i32
    %add3A_9 = arith.addi %mul3A_7, %add3A_8 : i32
    "tpu.region"() ({
      %run_scoped3A = tpu.sem_alloc : memref<!tpu.dma_semaphore, #tpu.memory_space<semaphore_mem>>
      %dma_start3A = arith.constant 0 : i32
      %dma_start3A_36 = tpu.memref_slice %arg10[%add3A_9, %dma_start3A] : memref<10240x32xf32, #tpu.memory_space<vmem_shared>> -> memref<128x32xf32, #tpu.memory_space<vmem_shared>>
      %dma_start3A_37 = arith.constant 0 : i32
      %dma_start3A_38 = tpu.memref_slice %arg10[%add3A_9, %dma_start3A_37] : memref<10240x32xf32, #tpu.memory_space<vmem_shared>> -> memref<128x32xf32, #tpu.memory_space<vmem_shared>>
      tpu.enqueue_dma source(%arg9 : memref<128x32xf32, #tpu.memory_space<vmem>>) target(%dma_start3A_38 : memref<128x32xf32, #tpu.memory_space<vmem_shared>>) target_semaphore(%run_scoped3A : memref<!tpu.dma_semaphore, #tpu.memory_space<semaphore_mem>>)
      %dma_wait3A = arith.constant 0 : i32
      %dma_wait3A_39 = tpu.memref_slice %arg10[%add3A_9, %dma_wait3A] : memref<10240x32xf32, #tpu.memory_space<vmem_shared>> -> memref<128x32xf32, #tpu.memory_space<vmem_shared>>
      %dma_wait3A_40 = arith.constant 0 : i32
      %dma_wait3A_41 = tpu.memref_slice %arg10[%add3A_9, %dma_wait3A_40] : memref<10240x32xf32, #tpu.memory_space<vmem_shared>> -> memref<128x32xf32, #tpu.memory_space<vmem_shared>>
      tpu.wait_dma2 semaphore(%run_scoped3A : memref<!tpu.dma_semaphore, #tpu.memory_space<semaphore_mem>>) src(%arg9 : memref<128x32xf32, #tpu.memory_space<vmem>>) dst(%dma_wait3A_41 : memref<128x32xf32, #tpu.memory_space<vmem_shared>>)
      tpu.yield
    }) : () -> ()
    %mul3A_10 = arith.constant 640 : i32
    %mul3A_11 = arith.muli %arg1, %mul3A_10 : i32
    %add3A_12 = arith.constant 128 : i32
    %add3A_13 = arith.addi %mul3A_11, %add3A_12 : i32
    "tpu.region"() ({
      %run_scoped3A = tpu.sem_alloc : memref<!tpu.dma_semaphore, #tpu.memory_space<semaphore_mem>>
      %dma_start3A = arith.constant 0 : i32
      %dma_start3A_36 = tpu.memref_slice %arg10[%add3A_13, %dma_start3A] : memref<10240x32xf32, #tpu.memory_space<vmem_shared>> -> memref<128x32xf32, #tpu.memory_space<vmem_shared>>
      %dma_start3A_37 = arith.constant 0 : i32
      %dma_start3A_38 = tpu.memref_slice %arg10[%add3A_13, %dma_start3A_37] : memref<10240x32xf32, #tpu.memory_space<vmem_shared>> -> memref<128x32xf32, #tpu.memory_space<vmem_shared>>
      tpu.enqueue_dma source(%arg9 : memref<128x32xf32, #tpu.memory_space<vmem>>) target(%dma_start3A_38 : memref<128x32xf32, #tpu.memory_space<vmem_shared>>) target_semaphore(%run_scoped3A : memref<!tpu.dma_semaphore, #tpu.memory_space<semaphore_mem>>)
      %dma_wait3A = arith.constant 0 : i32
      %dma_wait3A_39 = tpu.memref_slice %arg10[%add3A_13, %dma_wait3A] : memref<10240x32xf32, #tpu.memory_space<vmem_shared>> -> memref<128x32xf32, #tpu.memory_space<vmem_shared>>
      %dma_wait3A_40 = arith.constant 0 : i32
      %dma_wait3A_41 = tpu.memref_slice %arg10[%add3A_13, %dma_wait3A_40] : memref<10240x32xf32, #tpu.memory_space<vmem_shared>> -> memref<128x32xf32, #tpu.memory_space<vmem_shared>>
      tpu.wait_dma2 semaphore(%run_scoped3A : memref<!tpu.dma_semaphore, #tpu.memory_space<semaphore_mem>>) src(%arg9 : memref<128x32xf32, #tpu.memory_space<vmem>>) dst(%dma_wait3A_41 : memref<128x32xf32, #tpu.memory_space<vmem_shared>>)
      tpu.yield
    }) : () -> ()
    %mul3A_14 = arith.constant 640 : i32
    %mul3A_15 = arith.muli %arg1, %mul3A_14 : i32
    %add3A_16 = arith.constant 256 : i32
    %add3A_17 = arith.addi %mul3A_15, %add3A_16 : i32
    "tpu.region"() ({
      %run_scoped3A = tpu.sem_alloc : memref<!tpu.dma_semaphore, #tpu.memory_space<semaphore_mem>>
      %dma_start3A = arith.constant 0 : i32
      %dma_start3A_36 = tpu.memref_slice %arg10[%add3A_17, %dma_start3A] : memref<10240x32xf32, #tpu.memory_space<vmem_shared>> -> memref<128x32xf32, #tpu.memory_space<vmem_shared>>
      %dma_start3A_37 = arith.constant 0 : i32
      %dma_start3A_38 = tpu.memref_slice %arg10[%add3A_17, %dma_start3A_37] : memref<10240x32xf32, #tpu.memory_space<vmem_shared>> -> memref<128x32xf32, #tpu.memory_space<vmem_shared>>
      tpu.enqueue_dma source(%arg9 : memref<128x32xf32, #tpu.memory_space<vmem>>) target(%dma_start3A_38 : memref<128x32xf32, #tpu.memory_space<vmem_shared>>) target_semaphore(%run_scoped3A : memref<!tpu.dma_semaphore, #tpu.memory_space<semaphore_mem>>)
      %dma_wait3A = arith.constant 0 : i32
      %dma_wait3A_39 = tpu.memref_slice %arg10[%add3A_17, %dma_wait3A] : memref<10240x32xf32, #tpu.memory_space<vmem_shared>> -> memref<128x32xf32, #tpu.memory_space<vmem_shared>>
      %dma_wait3A_40 = arith.constant 0 : i32
      %dma_wait3A_41 = tpu.memref_slice %arg10[%add3A_17, %dma_wait3A_40] : memref<10240x32xf32, #tpu.memory_space<vmem_shared>> -> memref<128x32xf32, #tpu.memory_space<vmem_shared>>
      tpu.wait_dma2 semaphore(%run_scoped3A : memref<!tpu.dma_semaphore, #tpu.memory_space<semaphore_mem>>) src(%arg9 : memref<128x32xf32, #tpu.memory_space<vmem>>) dst(%dma_wait3A_41 : memref<128x32xf32, #tpu.memory_space<vmem_shared>>)
      tpu.yield
    }) : () -> ()
    %mul3A_18 = arith.constant 640 : i32
    %mul3A_19 = arith.muli %arg1, %mul3A_18 : i32
    %add3A_20 = arith.constant 384 : i32
    %add3A_21 = arith.addi %mul3A_19, %add3A_20 : i32
    "tpu.region"() ({
      %run_scoped3A = tpu.sem_alloc : memref<!tpu.dma_semaphore, #tpu.memory_space<semaphore_mem>>
      %dma_start3A = arith.constant 0 : i32
      %dma_start3A_36 = tpu.memref_slice %arg10[%add3A_21, %dma_start3A] : memref<10240x32xf32, #tpu.memory_space<vmem_shared>> -> memref<128x32xf32, #tpu.memory_space<vmem_shared>>
      %dma_start3A_37 = arith.constant 0 : i32
      %dma_start3A_38 = tpu.memref_slice %arg10[%add3A_21, %dma_start3A_37] : memref<10240x32xf32, #tpu.memory_space<vmem_shared>> -> memref<128x32xf32, #tpu.memory_space<vmem_shared>>
      tpu.enqueue_dma source(%arg9 : memref<128x32xf32, #tpu.memory_space<vmem>>) target(%dma_start3A_38 : memref<128x32xf32, #tpu.memory_space<vmem_shared>>) target_semaphore(%run_scoped3A : memref<!tpu.dma_semaphore, #tpu.memory_space<semaphore_mem>>)
      %dma_wait3A = arith.constant 0 : i32
      %dma_wait3A_39 = tpu.memref_slice %arg10[%add3A_21, %dma_wait3A] : memref<10240x32xf32, #tpu.memory_space<vmem_shared>> -> memref<128x32xf32, #tpu.memory_space<vmem_shared>>
      %dma_wait3A_40 = arith.constant 0 : i32
      %dma_wait3A_41 = tpu.memref_slice %arg10[%add3A_21, %dma_wait3A_40] : memref<10240x32xf32, #tpu.memory_space<vmem_shared>> -> memref<128x32xf32, #tpu.memory_space<vmem_shared>>
      tpu.wait_dma2 semaphore(%run_scoped3A : memref<!tpu.dma_semaphore, #tpu.memory_space<semaphore_mem>>) src(%arg9 : memref<128x32xf32, #tpu.memory_space<vmem>>) dst(%dma_wait3A_41 : memref<128x32xf32, #tpu.memory_space<vmem_shared>>)
      tpu.yield
    }) : () -> ()
    %mul3A_22 = arith.constant 640 : i32
    %mul3A_23 = arith.muli %arg1, %mul3A_22 : i32
    %add3A_24 = arith.constant 512 : i32
    %add3A_25 = arith.addi %mul3A_23, %add3A_24 : i32
    "tpu.region"() ({
      %run_scoped3A = tpu.sem_alloc : memref<!tpu.dma_semaphore, #tpu.memory_space<semaphore_mem>>
      %dma_start3A = arith.constant 0 : i32
      %dma_start3A_36 = tpu.memref_slice %arg10[%add3A_25, %dma_start3A] : memref<10240x32xf32, #tpu.memory_space<vmem_shared>> -> memref<128x32xf32, #tpu.memory_space<vmem_shared>>
      %dma_start3A_37 = arith.constant 0 : i32
      %dma_start3A_38 = tpu.memref_slice %arg10[%add3A_25, %dma_start3A_37] : memref<10240x32xf32, #tpu.memory_space<vmem_shared>> -> memref<128x32xf32, #tpu.memory_space<vmem_shared>>
      tpu.enqueue_dma source(%arg9 : memref<128x32xf32, #tpu.memory_space<vmem>>) target(%dma_start3A_38 : memref<128x32xf32, #tpu.memory_space<vmem_shared>>) target_semaphore(%run_scoped3A : memref<!tpu.dma_semaphore, #tpu.memory_space<semaphore_mem>>)
      %dma_wait3A = arith.constant 0 : i32
      %dma_wait3A_39 = tpu.memref_slice %arg10[%add3A_25, %dma_wait3A] : memref<10240x32xf32, #tpu.memory_space<vmem_shared>> -> memref<128x32xf32, #tpu.memory_space<vmem_shared>>
      %dma_wait3A_40 = arith.constant 0 : i32
      %dma_wait3A_41 = tpu.memref_slice %arg10[%add3A_25, %dma_wait3A_40] : memref<10240x32xf32, #tpu.memory_space<vmem_shared>> -> memref<128x32xf32, #tpu.memory_space<vmem_shared>>
      tpu.wait_dma2 semaphore(%run_scoped3A : memref<!tpu.dma_semaphore, #tpu.memory_space<semaphore_mem>>) src(%arg9 : memref<128x32xf32, #tpu.memory_space<vmem>>) dst(%dma_wait3A_41 : memref<128x32xf32, #tpu.memory_space<vmem_shared>>)
      tpu.yield
    }) : () -> ()
    %barrier3A = arith.constant 0 : index
    tpu.barrier barrier_id(%barrier3A)
    %scan3A_26 = arith.constant 0 : i32
    %scan3A_27 = arith.constant 125 : i32
    %scan3A_28 = arith.addi %scan3A_26, %scan3A_27 : i32
    %scan3A_29 = arith.constant 1 : i32
    scf.for %scan3A_36 = %scan3A_26 to %scan3A_28 step %scan3A_29  : i32 {
      %mul3A_37 = arith.constant 1 : i32
      %mul3A_38 = arith.muli %scan3A_36, %mul3A_37 : i32
      %add3A_39 = arith.constant 0 : i32
      %add3A_40 = arith.addi %add3A_39, %mul3A_38 : i32
      %mul3A_41 = arith.constant 10000 : i32
      %mul3A_42 = arith.muli %add3A, %mul3A_41 : i32
      %mul3A_43 = arith.constant 80 : i32
      %mul3A_44 = arith.muli %add3A_40, %mul3A_43 : i32
      %add3A_45 = arith.addi %mul3A_42, %mul3A_44 : i32
      "tpu.region"() ({
        %run_scoped3A = tpu.sem_alloc : memref<!tpu.dma_semaphore, #tpu.memory_space<semaphore_mem>>
        %dma_start3A = tpu.memref_slice %arg3[%add3A_45] : memref<320000xi32, #tpu.memory_space<hbm>> -> memref<80xi32, #tpu.memory_space<hbm>>
        %dma_start3A_46 = tpu.memref_slice %arg3[%add3A_45] : memref<320000xi32, #tpu.memory_space<hbm>> -> memref<80xi32, #tpu.memory_space<hbm>>
        tpu.enqueue_dma source(%dma_start3A_46 : memref<80xi32, #tpu.memory_space<hbm>>) target(%arg6 : memref<80xi32, #tpu.memory_space<vmem>>) target_semaphore(%run_scoped3A : memref<!tpu.dma_semaphore, #tpu.memory_space<semaphore_mem>>)
        %dma_wait3A = tpu.memref_slice %arg3[%add3A_45] : memref<320000xi32, #tpu.memory_space<hbm>> -> memref<80xi32, #tpu.memory_space<hbm>>
        %dma_wait3A_47 = tpu.memref_slice %arg3[%add3A_45] : memref<320000xi32, #tpu.memory_space<hbm>> -> memref<80xi32, #tpu.memory_space<hbm>>
        tpu.wait_dma2 semaphore(%run_scoped3A : memref<!tpu.dma_semaphore, #tpu.memory_space<semaphore_mem>>) src(%dma_wait3A_47 : memref<80xi32, #tpu.memory_space<hbm>>) dst(%arg6 : memref<80xi32, #tpu.memory_space<vmem>>)
        tpu.yield
      }) : () -> ()
      "tpu.region"() ({
        %run_scoped3A = tpu.sem_alloc : memref<!tpu.dma_semaphore, #tpu.memory_space<semaphore_mem>>
        %dma_start3A = tpu.memref_slice %arg4[%add3A_45] : memref<320000xi32, #tpu.memory_space<hbm>> -> memref<80xi32, #tpu.memory_space<hbm>>
        %dma_start3A_46 = tpu.memref_slice %arg4[%add3A_45] : memref<320000xi32, #tpu.memory_space<hbm>> -> memref<80xi32, #tpu.memory_space<hbm>>
        tpu.enqueue_dma source(%dma_start3A_46 : memref<80xi32, #tpu.memory_space<hbm>>) target(%arg7 : memref<80xi32, #tpu.memory_space<vmem>>) target_semaphore(%run_scoped3A : memref<!tpu.dma_semaphore, #tpu.memory_space<semaphore_mem>>)
        %dma_wait3A = tpu.memref_slice %arg4[%add3A_45] : memref<320000xi32, #tpu.memory_space<hbm>> -> memref<80xi32, #tpu.memory_space<hbm>>
        %dma_wait3A_47 = tpu.memref_slice %arg4[%add3A_45] : memref<320000xi32, #tpu.memory_space<hbm>> -> memref<80xi32, #tpu.memory_space<hbm>>
        tpu.wait_dma2 semaphore(%run_scoped3A : memref<!tpu.dma_semaphore, #tpu.memory_space<semaphore_mem>>) src(%dma_wait3A_47 : memref<80xi32, #tpu.memory_space<hbm>>) dst(%arg7 : memref<80xi32, #tpu.memory_space<vmem>>)
        tpu.yield
      }) : () -> ()
      "tpu.region"() ({
        %run_scoped3A = tpu.sem_alloc : memref<!tpu.dma_semaphore, #tpu.memory_space<semaphore_mem>>
        %dma_start3A = arith.constant 0 : i32
        %dma_start3A_46 = arith.constant 0 : i32
        %dma_start3A_47 = tpu.memref_slice %arg2[%dma_start3A, %dma_start3A_46] : memref<10000x32xf32, #tpu.memory_space<hbm>> -> memref<10000x32xf32, #tpu.memory_space<hbm>>
        tpu.enqueue_indirect_dma source(%dma_start3A_47 : memref<10000x32xf32, #tpu.memory_space<hbm>>) target(%arg8 : memref<80x32xf32, #tpu.memory_space<vmem>>) offsets(%arg6 : memref<80xi32, #tpu.memory_space<vmem>>) semaphore(%run_scoped3A : memref<!tpu.dma_semaphore, #tpu.memory_space<semaphore_mem>>)
        %dma_wait3A = arith.constant 0 : i32
        %dma_wait3A_48 = arith.constant 0 : i32
        %dma_wait3A_49 = tpu.memref_slice %arg2[%dma_wait3A, %dma_wait3A_48] : memref<10000x32xf32, #tpu.memory_space<hbm>> -> memref<10000x32xf32, #tpu.memory_space<hbm>>
        tpu.wait_indirect_dma semaphore(%run_scoped3A : memref<!tpu.dma_semaphore, #tpu.memory_space<semaphore_mem>>) src(%dma_wait3A_49 : memref<10000x32xf32, #tpu.memory_space<hbm>>) dst(%arg8 : memref<80x32xf32, #tpu.memory_space<vmem>>)
        tpu.yield
      }) : () -> ()
      "tpu.region"() ({
        %run_scoped3A = tpu.sem_alloc : memref<!tpu.dma_semaphore, #tpu.memory_space<semaphore_mem>>
        %dma_start3A = arith.constant 0 : i32
        %dma_start3A_46 = arith.constant 0 : i32
        %dma_start3A_47 = tpu.memref_slice %arg10[%dma_start3A, %dma_start3A_46] : memref<10240x32xf32, #tpu.memory_space<vmem_shared>> -> memref<10240x32xf32, #tpu.memory_space<vmem_shared>>
        tpu.enqueue_indirect_dma source(%arg8 : memref<80x32xf32, #tpu.memory_space<vmem>>) target(%dma_start3A_47 : memref<10240x32xf32, #tpu.memory_space<vmem_shared>>) offsets(%arg7 : memref<80xi32, #tpu.memory_space<vmem>>) semaphore(%run_scoped3A : memref<!tpu.dma_semaphore, #tpu.memory_space<semaphore_mem>>) {add = true}
        %dma_wait3A = arith.constant 0 : i32
        %dma_wait3A_48 = arith.constant 0 : i32
        %dma_wait3A_49 = tpu.memref_slice %arg10[%dma_wait3A, %dma_wait3A_48] : memref<10240x32xf32, #tpu.memory_space<vmem_shared>> -> memref<10240x32xf32, #tpu.memory_space<vmem_shared>>
        tpu.wait_indirect_dma semaphore(%run_scoped3A : memref<!tpu.dma_semaphore, #tpu.memory_space<semaphore_mem>>) src(%arg8 : memref<80x32xf32, #tpu.memory_space<vmem>>) dst(%dma_wait3A_49 : memref<10240x32xf32, #tpu.memory_space<vmem_shared>>)
        tpu.yield
      }) : () -> ()
    }
    %scan3A_30 = arith.constant 125 : i32
    %barrier3A_31 = arith.constant 0 : index
    tpu.barrier barrier_id(%barrier3A_31)
    %mul3A_32 = arith.constant 640 : i32
    %mul3A_33 = arith.muli %arg1, %mul3A_32 : i32
    %mul3A_34 = arith.constant 640 : i32
    %mul3A_35 = arith.muli %arg1, %mul3A_34 : i32
    "tpu.region"() ({
      %run_scoped3A = tpu.sem_alloc : memref<!tpu.dma_semaphore, #tpu.memory_space<semaphore_mem>>
      %dma_start3A = arith.constant 0 : i32
      %dma_start3A_36 = tpu.memref_slice %arg5[%arg0, %mul3A_35, %dma_start3A] : memref<2x10240x32xf32, #tpu.memory_space<hbm>> -> memref<1x640x32xf32, #tpu.memory_space<hbm>>
      %dma_start3A_37 = tpu.memref_squeeze %dma_start3A_36 : memref<1x640x32xf32, #tpu.memory_space<hbm>> -> memref<640x32xf32, #tpu.memory_space<hbm>>
      %dma_start3A_38 = arith.constant 0 : i32
      %dma_start3A_39 = tpu.memref_slice %arg10[%mul3A_33, %dma_start3A_38] : memref<10240x32xf32, #tpu.memory_space<vmem_shared>> -> memref<640x32xf32, #tpu.memory_space<vmem_shared>>
      tpu.enqueue_dma source(%dma_start3A_39 : memref<640x32xf32, #tpu.memory_space<vmem_shared>>) target(%dma_start3A_37 : memref<640x32xf32, #tpu.memory_space<hbm>>) target_semaphore(%run_scoped3A : memref<!tpu.dma_semaphore, #tpu.memory_space<semaphore_mem>>)
      %dma_wait3A = arith.constant 0 : i32
      %dma_wait3A_40 = tpu.memref_slice %arg5[%arg0, %mul3A_35, %dma_wait3A] : memref<2x10240x32xf32, #tpu.memory_space<hbm>> -> memref<1x640x32xf32, #tpu.memory_space<hbm>>
      %dma_wait3A_41 = tpu.memref_squeeze %dma_wait3A_40 : memref<1x640x32xf32, #tpu.memory_space<hbm>> -> memref<640x32xf32, #tpu.memory_space<hbm>>
      %dma_wait3A_42 = arith.constant 0 : i32
      %dma_wait3A_43 = tpu.memref_slice %arg10[%mul3A_33, %dma_wait3A_42] : memref<10240x32xf32, #tpu.memory_space<vmem_shared>> -> memref<640x32xf32, #tpu.memory_space<vmem_shared>>
      tpu.wait_dma2 semaphore(%run_scoped3A : memref<!tpu.dma_semaphore, #tpu.memory_space<semaphore_mem>>) src(%dma_wait3A_43 : memref<640x32xf32, #tpu.memory_space<vmem_shared>>) dst(%dma_wait3A_41 : memref<640x32xf32, #tpu.memory_space<hbm>>)
      tpu.yield
    }) : () -> ()
    return
  }
}

module attributes {stable_mosaic.version = 14 : i64} {
  func.func @_mm1_body(%arg0: memref<10000x128xf32, #tpu.memory_space<vmem>>, %arg1: memref<128x32xf32, #tpu.memory_space<vmem>>, %arg2: memref<10000x32xf32, #tpu.memory_space<vmem>>) attributes {dimension_semantics = [], scalar_prefetch = 0 : i64, scratch_operands = 0 : i64, tpu.core_type = #tpu.core_type<tc>} {
    %get3A = arith.constant 0 : index
    %get3A_0 = arith.constant 0 : index
    %get3A_1 = vector.load %arg0[%get3A, %get3A_0] : memref<10000x128xf32, #tpu.memory_space<vmem>>, vector<10000x128xf32>
    %get3A_2 = arith.constant 0 : index
    %get3A_3 = arith.constant 0 : index
    %get3A_4 = vector.load %arg1[%get3A_2, %get3A_3] : memref<128x32xf32, #tpu.memory_space<vmem>>, vector<128x32xf32>
    %dot_general3A = arith.constant dense<0.000000e+00> : vector<10000x32xf32>
    %dot_general3A_5 = tpu.matmul %get3A_1, %get3A_4, %dot_general3A {dimension_numbers = #tpu.dot_dimension_numbers<[1], [0], [0], [1], [0, 0, 1, 1], [], []>, transpose_lhs_hint = false} : vector<10000x128xf32>, vector<128x32xf32>, vector<10000x32xf32> -> vector<10000x32xf32>
    %swap3A = arith.constant 0 : index
    %swap3A_6 = arith.constant 0 : index
    %swap3A_7 = vector.load %arg2[%swap3A, %swap3A_6] : memref<10000x32xf32, #tpu.memory_space<vmem>>, vector<10000x32xf32>
    tpu.vector_store %arg2[%swap3A, %swap3A_6], %dot_general3A_5 {strides = array<i32>} : memref<10000x32xf32, #tpu.memory_space<vmem>>, vector<10000x32xf32>,
    return
  }
}

module attributes {stable_mosaic.version = 14 : i64} {
  func.func @_prep_body(%arg0: memref<2x10240x16xf32, #tpu.memory_space<vmem>>, %arg1: memref<10000x32xf32, #tpu.memory_space<vmem>>, %arg2: memref<10000x32xf32, #tpu.memory_space<vmem>>, %arg3: memref<10000x1xf32, #tpu.memory_space<vmem>>) attributes {dimension_semantics = [], scalar_prefetch = 0 : i64, scratch_operands = 0 : i64, tpu.core_type = #tpu.core_type<tc>} {
    %get3A = arith.constant 0 : index
    %get3A_0 = arith.constant 0 : index
    %get3A_1 = arith.constant 0 : index
    %get3A_2 = vector.load %arg0[%get3A, %get3A_0, %get3A_1] : memref<2x10240x16xf32, #tpu.memory_space<vmem>>, vector<2x10000x16xf32>
    %reduce_sum3A = arith.constant dense<0.000000e+00> : vector<10000xf32>
    %reduce_sum3A_3 = vector.multi_reduction <add>, %get3A_2, %reduce_sum3A [0, 2] : vector<2x10000x16xf32> to vector<10000xf32>
    %add3A = arith.constant 1.000000e+00 : f32
    %add3A_4 = vector.broadcast %add3A : f32 to vector<10000xf32>
    %add3A_5 = arith.addf %reduce_sum3A_3, %add3A_4 : vector<10000xf32>
    %sqrt3A = math.sqrt %add3A_5 : vector<10000xf32>
    %div3A = arith.constant 1.000000e+00 : f32
    %div3A_6 = vector.broadcast %div3A : f32 to vector<10000xf32>
    %div3A_7 = arith.divf %div3A_6, %sqrt3A : vector<10000xf32>
    %broadcast_in_dim3A = vector.shape_cast %div3A_7 : vector<10000xf32> to vector<10000x1xf32>
    %swap3A = arith.constant 0 : index
    %swap3A_8 = arith.constant 0 : index
    %swap3A_9 = vector.load %arg3[%swap3A, %swap3A_8] : memref<10000x1xf32, #tpu.memory_space<vmem>>, vector<10000x1xf32>
    tpu.vector_store %arg3[%swap3A, %swap3A_8], %broadcast_in_dim3A {strides = array<i32>} : memref<10000x1xf32, #tpu.memory_space<vmem>>, vector<10000x1xf32>,
    %broadcast_in_dim3A_10 = vector.shape_cast %div3A_7 : vector<10000xf32> to vector<10000x1xf32>
    %get3A_11 = arith.constant 0 : index
    %get3A_12 = arith.constant 0 : index
    %get3A_13 = vector.load %arg1[%get3A_11, %get3A_12] : memref<10000x32xf32, #tpu.memory_space<vmem>>, vector<10000x32xf32>
    %mul3A = vector.broadcast %broadcast_in_dim3A_10 : vector<10000x1xf32> to vector<10000x32xf32>
    %mul3A_14 = arith.mulf %mul3A, %get3A_13 : vector<10000x32xf32>
    %swap3A_15 = arith.constant 0 : index
    %swap3A_16 = arith.constant 0 : index
    %swap3A_17 = vector.load %arg2[%swap3A_15, %swap3A_16] : memref<10000x32xf32, #tpu.memory_space<vmem>>, vector<10000x32xf32>
    tpu.vector_store %arg2[%swap3A_15, %swap3A_16], %mul3A_14 {strides = array<i32>} : memref<10000x32xf32, #tpu.memory_space<vmem>>, vector<10000x32xf32>,
    return
  }
}

module attributes {stable_mosaic.version = 14 : i64} {
  func.func @_mid_body(%arg0: memref<2x10240x32xf32, #tpu.memory_space<vmem>>, %arg1: memref<10000x32xf32, #tpu.memory_space<vmem>>, %arg2: memref<10000x1xf32, #tpu.memory_space<vmem>>, %arg3: memref<1x32xf32, #tpu.memory_space<vmem>>, %arg4: memref<32x64xf32, #tpu.memory_space<vmem>>, %arg5: memref<10000x64xf32, #tpu.memory_space<vmem>>) attributes {dimension_semantics = [], scalar_prefetch = 0 : i64, scratch_operands = 0 : i64, tpu.core_type = #tpu.core_type<tc>} {
    %get3A = arith.constant 0 : index
    %get3A_0 = arith.constant 0 : index
    %get3A_1 = vector.load %arg2[%get3A, %get3A_0] : memref<10000x1xf32, #tpu.memory_space<vmem>>, vector<10000x1xf32>
    %get3A_2 = arith.constant 0 : index
    %get3A_3 = arith.constant 0 : index
    %get3A_4 = arith.constant 0 : index
    %get3A_5 = vector.load %arg0[%get3A_2, %get3A_3, %get3A_4] : memref<2x10240x32xf32, #tpu.memory_space<vmem>>, vector<1x10000x32xf32>
    %get3A_6 = vector.shape_cast %get3A_5 : vector<1x10000x32xf32> to vector<10000x32xf32>
    %get3A_7 = arith.constant 1 : index
    %get3A_8 = arith.constant 0 : index
    %get3A_9 = arith.constant 0 : index
    %get3A_10 = vector.load %arg0[%get3A_7, %get3A_8, %get3A_9] : memref<2x10240x32xf32, #tpu.memory_space<vmem>>, vector<1x10000x32xf32>
    %get3A_11 = vector.shape_cast %get3A_10 : vector<1x10000x32xf32> to vector<10000x32xf32>
    %add3A = arith.addf %get3A_6, %get3A_11 : vector<10000x32xf32>
    %get3A_12 = arith.constant 0 : index
    %get3A_13 = arith.constant 0 : index
    %get3A_14 = vector.load %arg1[%get3A_12, %get3A_13] : memref<10000x32xf32, #tpu.memory_space<vmem>>, vector<10000x32xf32>
    %add3A_15 = arith.addf %add3A, %get3A_14 : vector<10000x32xf32>
    %mul3A = vector.broadcast %get3A_1 : vector<10000x1xf32> to vector<10000x32xf32>
    %mul3A_16 = arith.mulf %mul3A, %add3A_15 : vector<10000x32xf32>
    %get3A_17 = arith.constant 0 : index
    %get3A_18 = arith.constant 0 : index
    %get3A_19 = vector.load %arg3[%get3A_17, %get3A_18] : memref<1x32xf32, #tpu.memory_space<vmem>>, vector<1x32xf32>
    %add3A_20 = vector.broadcast %get3A_19 : vector<1x32xf32> to vector<10000x32xf32>
    %add3A_21 = arith.addf %mul3A_16, %add3A_20 : vector<10000x32xf32>
    %max3A = arith.constant 0.000000e+00 : f32
    %max3A_22 = vector.broadcast %max3A : f32 to vector<10000x32xf32>
    %max3A_23 = arith.maximumf %add3A_21, %max3A_22 : vector<10000x32xf32>
    %get3A_24 = arith.constant 0 : index
    %get3A_25 = arith.constant 0 : index
    %get3A_26 = vector.load %arg4[%get3A_24, %get3A_25] : memref<32x64xf32, #tpu.memory_space<vmem>>, vector<32x64xf32>
    %dot_general3A = arith.constant dense<0.000000e+00> : vector<10000x64xf32>
    %dot_general3A_27 = tpu.matmul %max3A_23, %get3A_26, %dot_general3A {dimension_numbers = #tpu.dot_dimension_numbers<[1], [0], [0], [1], [0, 0, 1, 1], [], []>, transpose_lhs_hint = false} : vector<10000x32xf32>, vector<32x64xf32>, vector<10000x64xf32> -> vector<10000x64xf32>
    %mul3A_28 = vector.broadcast %get3A_1 : vector<10000x1xf32> to vector<10000x64xf32>
    %mul3A_29 = arith.mulf %mul3A_28, %dot_general3A_27 : vector<10000x64xf32>
    %swap3A = arith.constant 0 : index
    %swap3A_30 = arith.constant 0 : index
    %swap3A_31 = vector.load %arg5[%swap3A, %swap3A_30] : memref<10000x64xf32, #tpu.memory_space<vmem>>, vector<10000x64xf32>
    tpu.vector_store %arg5[%swap3A, %swap3A_30], %mul3A_29 {strides = array<i32>} : memref<10000x64xf32, #tpu.memory_space<vmem>>, vector<10000x64xf32>,
    return
  }
}

module attributes {stable_mosaic.version = 14 : i64} {
  func.func @_final_body(%arg0: memref<2x10240x64xf32, #tpu.memory_space<vmem>>, %arg1: memref<10000x64xf32, #tpu.memory_space<vmem>>, %arg2: memref<10000x1xf32, #tpu.memory_space<vmem>>, %arg3: memref<1x64xf32, #tpu.memory_space<vmem>>, %arg4: memref<10000x64xf32, #tpu.memory_space<vmem>>) attributes {dimension_semantics = [], scalar_prefetch = 0 : i64, scratch_operands = 0 : i64, tpu.core_type = #tpu.core_type<tc>} {
    %get3A = arith.constant 0 : index
    %get3A_0 = arith.constant 0 : index
    %get3A_1 = vector.load %arg2[%get3A, %get3A_0] : memref<10000x1xf32, #tpu.memory_space<vmem>>, vector<10000x1xf32>
    %get3A_2 = arith.constant 0 : index
    %get3A_3 = arith.constant 0 : index
    %get3A_4 = arith.constant 0 : index
    %get3A_5 = vector.load %arg0[%get3A_2, %get3A_3, %get3A_4] : memref<2x10240x64xf32, #tpu.memory_space<vmem>>, vector<1x10000x64xf32>
    %get3A_6 = vector.shape_cast %get3A_5 : vector<1x10000x64xf32> to vector<10000x64xf32>
    %get3A_7 = arith.constant 1 : index
    %get3A_8 = arith.constant 0 : index
    %get3A_9 = arith.constant 0 : index
    %get3A_10 = vector.load %arg0[%get3A_7, %get3A_8, %get3A_9] : memref<2x10240x64xf32, #tpu.memory_space<vmem>>, vector<1x10000x64xf32>
    %get3A_11 = vector.shape_cast %get3A_10 : vector<1x10000x64xf32> to vector<10000x64xf32>
    %add3A = arith.addf %get3A_6, %get3A_11 : vector<10000x64xf32>
    %get3A_12 = arith.constant 0 : index
    %get3A_13 = arith.constant 0 : index
    %get3A_14 = vector.load %arg1[%get3A_12, %get3A_13] : memref<10000x64xf32, #tpu.memory_space<vmem>>, vector<10000x64xf32>
    %add3A_15 = arith.addf %add3A, %get3A_14 : vector<10000x64xf32>
    %mul3A = vector.broadcast %get3A_1 : vector<10000x1xf32> to vector<10000x64xf32>
    %mul3A_16 = arith.mulf %mul3A, %add3A_15 : vector<10000x64xf32>
    %get3A_17 = arith.constant 0 : index
    %get3A_18 = arith.constant 0 : index
    %get3A_19 = vector.load %arg3[%get3A_17, %get3A_18] : memref<1x64xf32, #tpu.memory_space<vmem>>, vector<1x64xf32>
    %add3A_20 = vector.broadcast %get3A_19 : vector<1x64xf32> to vector<10000x64xf32>
    %add3A_21 = arith.addf %mul3A_16, %add3A_20 : vector<10000x64xf32>
    %mul3A_22 = arith.mulf %add3A_21, %add3A_21 : vector<10000x64xf32>
    %reduce_sum3A = arith.constant dense<0.000000e+00> : vector<10000xf32>
    %reduce_sum3A_23 = vector.multi_reduction <add>, %mul3A_22, %reduce_sum3A [1] : vector<10000x64xf32> to vector<10000xf32>
    %broadcast_in_dim3A = vector.shape_cast %reduce_sum3A_23 : vector<10000xf32> to vector<10000x1xf32>
    %sqrt3A = math.sqrt %broadcast_in_dim3A : vector<10000x1xf32>
    %max3A = arith.constant 9.99999996E-13 : f32
    %max3A_24 = vector.broadcast %max3A : f32 to vector<10000x1xf32>
    %max3A_25 = arith.maximumf %sqrt3A, %max3A_24 : vector<10000x1xf32>
    %div3A = vector.broadcast %max3A_25 : vector<10000x1xf32> to vector<10000x64xf32>
    %div3A_26 = arith.divf %add3A_21, %div3A : vector<10000x64xf32>
    %swap3A = arith.constant 0 : index
    %swap3A_27 = arith.constant 0 : index
    %swap3A_28 = vector.load %arg4[%swap3A, %swap3A_27] : memref<10000x64xf32, #tpu.memory_space<vmem>>, vector<10000x64xf32>
    tpu.vector_store %arg4[%swap3A, %swap3A_27], %div3A_26 {strides = array<i32>} : memref<10000x64xf32, #tpu.memory_space<vmem>>, vector<10000x64xf32>,
    return
  }
}

</mosaic_0001>

<sc_bundles>
// kernel: kernel.12.cloned.1.call-start
scs
__scs_entry_jumppad:
0x0: {  	(pc) =	sbr.rel $0x88, $3  }
0x1: {  	(tag) =	ssettag $0x0;
	lr =	simm.s32 $0x1  }
0x2: {  	[smem:$0x3F9B] =	sst lr;
	_ =	strace $0xD0000000  }
0x3: {  	_ = 	snop  }
0x4: {  	_ = 	snop  }
0x5: {  	_ = 	snop  }
0x6: {  	_ = 	snop  }
0x7: {  	_ = 	snop  }
__scs_overlays_trampoline_lowered:
0x8: {  	[smem:$0x3FAA] =	sst s0  }
0x9: {  	[smem:$0x3FAB] =	sst s1  }
0xa: {  	[smem:$0x3FAC] =	sst s2  }
0xb: {  	[smem:$0x3FAD] =	sst s3  }
0xc: {  	[smem:$0x3FAE] =	sst s4  }
0xd: {  	[smem:$0x3FAF] =	sst s5  }
0xe: {  	[smem:$0x3FB0] =	sst s6  }
0xf: {  	[smem:$0x3FB1] =	sst s7  }
0x10: {  	[smem:$0x3FB2] =	sst s8  }
0x11: {  	[smem:$0x3FB3] =	sst s9;
	s0 =	simm.s32 @!p0 $0x0  }
0x12: {  	s1 =	sld [smem:$0x3F99];
	s0 =	simm.s32 @p0 $0x1  }
0x13: {  	[smem:$0x3FB4] =	sst s0;
	s0 =	simm.s32 @!p1 $0x0  }
0x14: {  	s2 =	sld [smem:$0x3F98];
	s0 =	simm.s32 @p1 $0x1  }
0x15: {  	[smem:$0x3FB5] =	sst s0;
	s0 =	simm.s32 @!p2 $0x0  }
0x16: {  	s3 =	sld [smem:$0x3FDB];
	s0 =	simm.s32 @p2 $0x1  }
0x17: {  	s4 =	simm.s32 $0x1BF5;
	[smem:$0x3FB7] =	sst s0  }
0x18: {  	s0 =	sld [smem:$0x3F9A];
	_ =	swait.ge [sflag:s4], $0x0  }
0x19: {  	s7 =	sld [smem:$0x3F9B]  }
0x1a: {  	s8 =	sadd.s32 $0xFFFFE003, lr  }
0x1b: {  	s9 =	sadd.s32 $0xFFFFFEF7, lr;
	s5 =	simm.s32 $0xFFFFFFFF;
	p2 =	slt.u32 s8, $0xFFFFF086  }
0x1c: {  	p1 =	slt.u32 s9, $0xF7A;
	s5 =	simm.s32 @!p2 $0x0  }
0x1d: {  	s5 =	simm.s32 @p1 $0x1;
	p0 =	seq.s32 s7, s2  }
0x1e: {  	s7 =	smul.u32 @!p0 $0xF7A, s2;
	p2 =	seq.s32 @!p0 s5, $0x0  }
0x1f: {  	s9 =	smul.u32 $0xF7A, s1;
	s8 =	simm.s32 @!p0 $0x1BF5;
	p2 =	por !p2, p0  }
0x20: {  	[sflag:s8] =	ssyncset.s32 @!p0 $0xFFFFF086;
	s6 =	sadd.s32 @!p0 s3, s7;
	s7 =	simm.s32 @!p0 $0x108  }
0x21: {  	s3 =	sadd.s32 s3, s9;
	s6 =	sadd.s32 @!p0 $0x88, s6;
	s7 =	simm.s32 @p2 $0x1082  }
0x22: {  	[simem:s7], [sflag:s8] =	dma.local @!p0 [hbm:s6], $0xF7A  }
0x23: {  	s9 =	sor.u32 $0xD0000000, s2;
	s6 =	simm.s32 $0x108;
	_ =	swait.ge @!p0 [sflag:s8], $0x0  }
0x24: {  	s3 =	sadd.s32 $0x88, s3;
	s6 =	simm.s32 @!p1 $0x1082;
	[sflag:s4] =	ssyncset.s32 $0xFFFFF086  }
0x25: {  	[simem:s6], [sflag:s4] =	dma.local [hbm:s3], $0xF7A  }
0x26: {  	[smem:$0x3F9B] =	sst s1;
	(tag) =	ssettag s2;
	_ =	strace s9  }
0x27: {  	s1 =	sld [smem:$0x3FAB]  }
0x28: {  	s2 =	sld [smem:$0x3FAC]  }
0x29: {  	s4 =	sld [smem:$0x3FAE]  }
0x2a: {  	p0 =	seq.s32 s5, $0x0;
	s5 =	sld [smem:$0x3FAF]  }
0x2b: {  	s6 =	sld [smem:$0x3FB0]  }
0x2c: {  	s7 =	sld [smem:$0x3FB1]  }
0x2d: {  	s3 =	simm.s32 $0x108;
	s8 =	sld [smem:$0x3FB2]  }
0x2e: {  	s3 =	simm.s32 @!p0 $0x1082;
	s9 =	sld [smem:$0x3FB3]  }
0x2f: {  	lr =	sadd.s32 s0, s3;
	s0 =	sld [smem:$0x3FAA]  }
0x30: {  	s3 =	sld [smem:$0x3FAD]  }
0x31: {  	[smem:$0x3FB6] =	sst s10  }
0x32: {  	s10 =	sld [smem:$0x3FB4];
	_ =	sdelay $0x3  }
0x33: {  	p0 =	seq.s32 s10, $0x1;
	s10 =	sld [smem:$0x3FB6];
	_ =	sdelay $0x3  }
0x34: {  	[smem:$0x3FB6] =	sst s10  }
0x35: {  	s10 =	sld [smem:$0x3FB5];
	_ =	sdelay $0x3  }
0x36: {  	p1 =	seq.s32 s10, $0x1;
	s10 =	sld [smem:$0x3FB6];
	_ =	sdelay $0x3  }
0x37: {  	[smem:$0x3FB6] =	sst s10  }
0x38: {  	s10 =	sld [smem:$0x3FB7]  }
0x39: {  	_ = 	snop;
	(pc) =	sbr.ind lr, $3  }
0x3a: {  	_ = 	snop  }
0x3b: {  	_ = 	snop  }
0x3c: {  	p2 =	seq.s32 s10, $0x1;
	s10 =	sld [smem:$0x3FB6]  }
0x3d: {  	_ =	shalt  }
0x3e: {  	_ =	shalt  }
0x3f: {  	_ =	shalt  }
0x40: {  	_ =	shalt  }
0x41: {  	_ =	shalt  }
0x42: {  	_ =	shalt  }
0x43: {  	_ =	shalt  }
0x44: {  	_ =	shalt  }
0x45: {  	_ =	shalt  }
0x46: {  	_ =	shalt  }
0x47: {  	_ =	shalt  }
0x48: {  	_ =	shalt  }
0x49: {  	_ =	shalt  }
0x4a: {  	_ =	shalt  }
0x4b: {  	_ =	shalt  }
0x4c: {  	_ =	shalt  }
0x4d: {  	_ =	shalt  }
0x4e: {  	_ =	shalt  }
0x4f: {  	_ =	shalt  }
0x50: {  	_ =	shalt  }
0x51: {  	_ =	shalt  }
0x52: {  	_ =	shalt  }
0x53: {  	_ =	shalt  }
0x54: {  	_ =	shalt  }
0x55: {  	_ =	shalt  }
0x56: {  	_ =	shalt  }
0x57: {  	_ =	shalt  }
0x58: {  	_ =	shalt  }
0x59: {  	_ =	shalt  }
0x5a: {  	_ =	shalt  }
0x5b: {  	_ =	shalt  }
0x5c: {  	_ =	shalt  }
0x5d: {  	_ =	shalt  }
0x5e: {  	_ =	shalt  }
0x5f: {  	_ =	shalt  }
0x60: {  	_ =	shalt  }
0x61: {  	_ =	shalt  }
0x62: {  	_ =	shalt  }
0x63: {  	_ =	shalt  }
0x64: {  	_ =	shalt  }
0x65: {  	_ =	shalt  }
0x66: {  	_ =	shalt  }
0x67: {  	_ =	shalt  }
0x68: {  	_ =	shalt  }
0x69: {  	_ =	shalt  }
0x6a: {  	_ =	shalt  }
0x6b: {  	_ =	shalt  }
0x6c: {  	_ =	shalt  }
0x6d: {  	_ =	shalt  }
0x6e: {  	_ =	shalt  }
0x6f: {  	_ =	shalt  }
0x70: {  	_ =	shalt  }
0x71: {  	_ =	shalt  }
0x72: {  	_ =	shalt  }
0x73: {  	_ =	shalt  }
0x74: {  	_ =	shalt  }
0x75: {  	_ =	shalt  }
0x76: {  	_ =	shalt  }
0x77: {  	_ =	shalt  }
0x78: {  	_ =	shalt  }
0x79: {  	_ =	shalt  }
0x7a: {  	_ =	shalt  }
0x7b: {  	_ =	shalt  }
0x7c: {  	_ =	shalt  }
0x7d: {  	_ =	shalt  }
0x7e: {  	_ =	shalt  }
0x7f: {  	_ =	shalt  }
0x80: {  	_ =	shalt  }
0x81: {  	_ =	shalt  }
0x82: {  	_ =	shalt  }
0x83: {  	_ =	shalt  }
0x84: {  	_ =	shalt  }
0x85: {  	_ =	shalt  }
0x86: {  	_ =	shalt  }
0x87: {  	_ =	shalt  }
.Lfunc_end0:
.L_simem_size_0:
called_computation.1_lowered:
.L_overlay_start_0:
0x88: {  	s2 =	sld [smem:$0x3FD9]  }
0x89: {  	s3 =	sld [smem:$0x3FFE];
	_ =	sdelay $0x1  }
0x8a: {  	s1 =	srdreg.scid  }
0x8b: {  	s0 =	sand.u32 $0x1, s1  }
0x8c: {  	s17 =	sshll.u32 s0, $0xA;
	s2 =	sadd.s32 s3, s2  }
0x8d: {  	s2 =	sadd.s32 s2, s17  }
0x8e: {  	[smem:$0x3FC2] =	sst s2  }
0x8f: {  	_ = 	snop  }
0x90: {  	s2 =	sld [smem:$0x3FD0];
	(tm) =	ssettm $0x1  }
0x91: {  	s18 =	sld [smem:$0x3FFB];
	_ =	sdelay $0x3  }
0x92: {  	_ =	strace s18  }
0x93: {  	s3 =	sld [smem:$0x3FFC];
	_ =	sdelay $0x3  }
0x94: {  	_ =	strace s3  }
0x95: {  	s3 =	sld [smem:$0x3FFD];
	_ =	sdelay $0x3  }
0x96: {  	_ =	strace s3  }
0x97: {  	_ =	strace $0x8FFFFFFF  }
0x98: {  	s19 =	sld [smem:$0x3FDB];
	_ =	sdelay $0x1  }
0x99: {  	s4 =	simm.s32 $_scs_section_size  }
0x9a: {  	s5 =	simm.s32 $_size__tile_overlayer_lowered;
	s6 =	simm.s32 $_tile_overlayer_lowered  }
0x9b: {  	s22 =	simm.s32 $0x1BFF;
	s21 =	sshll.u32 s6, $0x1;
	s3 =	sadd.s32 s4, s19  }
0x9c: {  	s7 =	simm.s32 $0x0;
	s20 =	sshll.u32 s5, $0x1;
	s5 =	sadd.s32 s21, s3  }
0x9d: {  	[timem:s7], [sflag:s22] =	dma.local [hbm:s5], s20  }
0x9e: {  	_ =	swait.ge [sflag:s22], s20  }
0x9f: {  	s4 =	ssub.s32 $0x0, s20;
	[sflag:s22] =	ssyncset.done $0x0  }
0xa0: {  	[sflag:s22] =	ssyncadd.s32 s4;
	_ =	sdelay $0x1  }
0xa1: {  	s23 =	simm.s32 $0x1B8B  }
0xa2: {  	_ =	swait.ge [sflag:s23], $0x1  }
0xa3: {  	[sflag:s23] =	ssyncset.done $0x0  }
0xa4: {  	s25 =	simm.s32 $0x1B8E;
	s24 =	sld [smem:$0x3FFE];
	[sflag:s23] =	ssyncadd.s32 $0xFFFFFFFF  }
0xa5: {  	s26 =	simm.s32 $execute0_lowered;
	[smem:$0x3FD2] =	sst s25  }
0xa6: {  	s5 =	sshll.u32 s26, $0x1;
	_ =	strace $0x80000049;
	[dreg:$0x1] =	wrdreg $0xFFFFFFFF  }
0xa7: {  	s28 =	simm.s32 $_size_execute0_lowered;
	s3 =	sadd.s32 s3, s5;
	[dreg:$0x0] =	wrdreg $0x0  }
0xa8: {  	s5 =	sshll.u32 s28, $0x1;
	[dreg:$0x2] =	wrdreg s3  }
0xa9: {  	[dreg:$0x3] =	wrdreg s5  }
0xaa: {  	[dreg:$0x4] =	wrdreg $0xC0  }
0xab: {  	_ =	task [dreg:s7], $0x5FFFF  }
0xac: {  	[dreg:$0x1] =	wrdreg $0xFFFFFFFF  }
0xad: {  	[dreg:$0x0] =	wrdreg $0x60  }
0xae: {  	[dreg:$0x2] =	wrdreg s2  }
0xaf: {  	[dreg:$0x3] =	wrdreg s24  }
0xb0: {  	[dreg:$0x4] =	wrdreg $0x1AA00  }
0xb1: {  	[dreg:$0x5] =	wrdreg $0x9  }
0xb2: {  	_ =	task.clear_ibuf [dreg:s7], $0x6FFFF;
	_ =	strace $0x90000049  }
0xb3: {  	s29 =	simm.s32 $0x9;
	_ =	strace $0x8000004B  }
0xb4: {  	_ =	swait.ge [sflag:s29], $0x1  }
0xb5: {  	[sflag:s29] =	ssyncadd.s32 $0xFFFFFFFF  }
0xb6: {  	_ =	strace $0x9000004B  }
0xb7: {  	_ =	sfence  }
0xb8: {  	s30 =	sld [smem:$0x0];
	_ =	sdelay $0x2  }
0xb9: {  	s31 =	sshll.u32 s1, $0xD;
	s1 =	sshrl.u32 s1, $0x2  }
0xba: {  	s3 =	sand.u32 $0x4000, s31;
	s1 =	sadd.s32 s1, s30  }
0xbb: {  	s0 =	sor.u32 s3, s0;
	s1 =	sshll.u32 s1, $0x11  }
0xbc: {  	s0 =	sor.u32 s1, s0  }
0xbd: {  	s0 =	sadd.s32 $0x8F2B, s0  }
0xbe: {  	[sflag:s0] =	ssyncadd.remote.s32 $0x1  }
0xbf: {  	_ =	sfence.sel $0xFFFF  }
0xc0: {  	[dreg:$0x0] =	wrdreg $0xFFFFFFFF;
	(pc) =	sbr.abs _section_cstart, $3  }
0xc1: {  	[dreg:$0x1] =	wrdreg $0xFFFFFFFF  }
0xc2: {  	_ =	task.clear_ibuf [dreg:s7], $0x2FFFF;
	_ =	strace $0x9FFFFFFF  }
0xc3: {  	(tm) =	ssettm $0x7FFFFFFF  }
tec
execute0_lowered:
.L_overlay_start_1:
0x0: {  	(tag) =	ssettag $0x1  }
0x1: {  	s1 =	rddreg [dreg:$0x0]  }
0x2: {  	s0 =	srdreg.scid;
	s5 =	rddreg [dreg:$0x1]  }
0x3: {  	s3 =	rddreg [dreg:$0x2];
	s6 =	sand.u32 $0x1, s0  }
0x4: {  	s0 =	stileid.u32;
	s7 =	smul.u32 $0x27100, s6  }
0x5: {  	s2 =	rddreg [dreg:$0x3];
	s4 =	simm.s32 $0x0;
	s8 =	smul.u32 $0x2710, s0  }
0x6: {  	s14 =	simm.s32 $0xAA0;
	s15 =	simm.s32 $0x1;
	s9 =	smul.u32 $0x5000, s0  }
0x7: {  	s16 =	simm.s32 $0x50;
	s17 =	simm.s32 $0xA0;
	s26 =	smul.u32 $0x50000, s6  }
0x8: {  	s20 =	simm.s32 $0x0;
	[smem:$0x7FF] =	sst s4;
	s10 =	smul.u32 $0x14000, s0  }
0x9: {  	_ =	strace $0x8000004A;
	s6 =	ssub.s32 $0x2, s6;
	s18 =	sshll.u32 s0, $0x6  }
0xa: {  	s31 =	sshrl.u32 s6, $0x1;
	s18 =	sor.u32 $0x1C01, s18;
	s7 =	sadd.s32 s8, s7  }
0xb: {  	s28 =	sadd.s32 s9, s26;
	s29 =	sshrl.u32 s10, $0x2;
	s7 =	sshrl.u32 s7, $0x3  }
0xc: {  	s12 =	ssub.s32 s6, s31;
	s11 =	sadd.s32 s29, s3;
	s13 =	sadd.s32 s7, s5  }
0xd: {  	s7 =	sshrl.u32 s28, $0x3;
	s6 =	sadd.s32 $0x1000, s11;
	s8 =	sadd.s32 $0x3000, s11  }
0xe: {  	s30 =	sadd.s32 s7, s5;
	s5 =	sadd.s32 s9, s3;
	s7 =	sadd.s32 $0x2000, s11  }
0xf: {  	s9 =	sadd.s32 $0x4000, s11;
	s11 =	smax.u32 s12, $0x1;
	s12 =	sadd.s32 $0xB400, s13  }
0x10: {  	v0 =	vimm.f32 $0.0e+00;
	s13 =	sadd.s32 $0x1600, s13;
	s10 =	sadd.s32 $0x15200, s30;
	s19 =	sshrl.u32 s5, $0x3  }
.LBB2_1:
0x11: {  	s21 =	simm.s32 $0x80;
	s22 =	simm.s32 $0x0  }
.LBB2_2:
0x12: {  	p0 =	sne.s32 s21, $0x3F80;
	[tilespmem:s22+$0xAA0] =	vst v0;
	s23 =	smov.u32 s21;
	s21 =	sadd.s32 $0x80, s21  }
.Ltmp0:
0x13: {  	[tilespmem:s22+$0xAB0] =	vst v0;
	(pc) =	sbr.rel @p0 .LBB2_2-.Ltmp0, $2  }
0x14: {  	_ =	sdelay $0x2  }
0x15: {  	s22 =	sshra.s32 s23, $0x2  }
0x16: {  	[tilespmem:s22+$0xAA0] =	vst v0  }
0x17: {  	[tilespmem:s22+$0xAB0] =	vst v0  }
0x18: {  	[spmem:s5] =	stream.linear.scatter [tilespmem:s14], [sflag:$0x1], $0x1000, $0x38;
	[tilespmem:$0x6AA0] =	vst v63  }
0x19: {  	_ =	swait.ge [sflag:s15], $0x1000  }
0x1a: {  	[sflag:s15] =	ssyncset.done $0x0  }
0x1b: {  	[sflag:s15] =	ssyncadd.s32 $0xFFFFF000  }
0x1c: {  	[spmem:s6] =	stream.linear.scatter [tilespmem:s14], [sflag:$0x1], $0x1000, $0x38;
	[tilespmem:$0x6AA0] =	vst v63  }
0x1d: {  	_ =	swait.ge [sflag:s15], $0x1000  }
0x1e: {  	[sflag:s15] =	ssyncset.done $0x0  }
0x1f: {  	[sflag:s15] =	ssyncadd.s32 $0xFFFFF000  }
0x20: {  	[spmem:s7] =	stream.linear.scatter [tilespmem:s14], [sflag:$0x1], $0x1000, $0x38;
	[tilespmem:$0x6AA0] =	vst v63  }
0x21: {  	_ =	swait.ge [sflag:s15], $0x1000  }
0x22: {  	[sflag:s15] =	ssyncset.done $0x0  }
0x23: {  	[sflag:s15] =	ssyncadd.s32 $0xFFFFF000  }
0x24: {  	[spmem:s8] =	stream.linear.scatter [tilespmem:s14], [sflag:$0x1], $0x1000, $0x38;
	[tilespmem:$0x6AA0] =	vst v63  }
0x25: {  	_ =	swait.ge [sflag:s15], $0x1000  }
0x26: {  	[sflag:s15] =	ssyncset.done $0x0  }
0x27: {  	[sflag:s15] =	ssyncadd.s32 $0xFFFFF000  }
0x28: {  	[spmem:s9] =	stream.linear.scatter [tilespmem:s14], [sflag:$0x1], $0x1000, $0x38;
	[tilespmem:$0x6AA0] =	vst v63  }
0x29: {  	_ =	swait.ge [sflag:s15], $0x1000  }
0x2a: {  	[sflag:s15] =	ssyncset.done $0x0  }
0x2b: {  	[sflag:s15] =	ssyncadd.s32 $0xFFFFF000  }
0x2c: {  	s21 =	sadd.s32 $0x0, s13;
	[bflag:$0x0] =	sbarrier.arrive $0xFFFF  }
0x2d: {  	[tilespmem:s4], [sflag:$0x1] =	stream.linear.gather [hbm4b:s21+s4], $0x50, $0x38;
	[tilespmem:$0x6AA0] =	vst v63  }
0x2e: {  	_ =	swait.ge [sflag:s15], $0x50  }
0x2f: {  	[sflag:s15] =	ssyncset.done $0x0  }
0x30: {  	s31 =	sadd.s32 $0x0, s12;
	[sflag:s15] =	ssyncadd.s32 $0xFFFFFFB0  }
0x31: {  	[tilespmem:s16], [sflag:$0x1] =	stream.linear.gather [hbm4b:s31+s4], $0x50, $0x38;
	[tilespmem:$0x6AA0] =	vst v63  }
0x32: {  	_ =	swait.ge [sflag:s15], $0x50  }
0x33: {  	[sflag:s15] =	ssyncset.done $0x0  }
0x34: {  	[sflag:s15] =	ssyncadd.s32 $0xFFFFFFB0  }
0x35: {  	[tilespmem:s17], [sflag:$0x1] =	stream.indirect.gather [hbm4b:s1+s16], $0x20, s4, s16, $0xb8;
	[tilespmem:$0x6AA0] =	vst v63  }
0x36: {  	_ =	swait.ge [sflag:s15], $0xA00  }
0x37: {  	[sflag:s15] =	ssyncset.done $0x0  }
0x38: {  	[sflag:s15] =	ssyncadd.s32 $0xFFFFF600  }
0x39: {  	[spmem:s3] =	stream.indirect.scatter.add.f32 [tilespmem:s17], [sflag:$0x1], $0x20, s16, s16, $0xb8;
	[tilespmem:$0x6AA0] =	vst v63  }
0x3a: {  	_ =	swait.ge [sflag:s15], $0xA00  }
0x3b: {  	s22 =	simm.s32 $0x14;
	s21 =	simm.s32 $0xA;
	[sflag:s15] =	ssyncset.done $0x0  }
.LBB2_4:
0x3c: {  	s23 =	sadd.s32 s21, s13  }
0x3d: {  	[sflag:s15] =	ssyncadd.s32 $0xFFFFF600;
	s24 =	smov.u32 s22;
	s25 =	sadd.s32 $0xA, s22  }
0x3e: {  	[tilespmem:s4], [sflag:$0x1] =	stream.linear.gather [hbm4b:s23+s4], $0x50, $0x38;
	[tilespmem:$0x6AA0] =	vst v63  }
0x3f: {  	p0 =	sne.s32 s22, $0x4D8;
	_ =	swait.ge [sflag:s15], $0x50  }
0x40: {  	[sflag:s15] =	ssyncset.done $0x0  }
0x41: {  	s22 =	sadd.s32 s21, s12;
	s21 =	smov.u32 s24;
	[sflag:s15] =	ssyncadd.s32 $0xFFFFFFB0  }
0x42: {  	[tilespmem:s16], [sflag:$0x1] =	stream.linear.gather [hbm4b:s22+s4], $0x50, $0x38;
	[tilespmem:$0x6AA0] =	vst v63  }
0x43: {  	_ =	swait.ge [sflag:s15], $0x50  }
0x44: {  	[sflag:s15] =	ssyncset.done $0x0  }
0x45: {  	[sflag:s15] =	ssyncadd.s32 $0xFFFFFFB0  }
0x46: {  	[tilespmem:s17], [sflag:$0x1] =	stream.indirect.gather [hbm4b:s1+s16], $0x20, s4, s16, $0xb8;
	[tilespmem:$0x6AA0] =	vst v63  }
0x47: {  	_ =	swait.ge [sflag:s15], $0xA00  }
.Ltmp1:
0x48: {  	[sflag:s15] =	ssyncset.done $0x0;
	(pc) =	sbr.rel @p0 .LBB2_4-.Ltmp1, $4  }
0x49: {  	[sflag:s15] =	ssyncadd.s32 $0xFFFFF600  }
0x4a: {  	[spmem:s3] =	stream.indirect.scatter.add.f32 [tilespmem:s17], [sflag:$0x1], $0x20, s16, s16, $0xb8;
	[tilespmem:$0x6AA0] =	vst v63  }
0x4b: {  	_ =	swait.ge [sflag:s15], $0xA00  }
0x4c: {  	s22 =	smov.u32 s25;
	[sflag:s15] =	ssyncset.done $0x0  }
0x4d: {  	s22 =	sadd.s32 s21, s13;
	[sflag:s15] =	ssyncadd.s32 $0xFFFFF600  }
0x4e: {  	[tilespmem:s4], [sflag:$0x1] =	stream.linear.gather [hbm4b:s22+s4], $0x50, $0x38;
	[tilespmem:$0x6AA0] =	vst v63  }
0x4f: {  	_ =	swait.ge [sflag:s15], $0x50  }
0x50: {  	[sflag:s15] =	ssyncset.done $0x0  }
0x51: {  	s31 =	sadd.s32 s21, s12;
	[sflag:s15] =	ssyncadd.s32 $0xFFFFFFB0  }
0x52: {  	[tilespmem:s16], [sflag:$0x1] =	stream.linear.gather [hbm4b:s31+s4], $0x50, $0x38;
	[tilespmem:$0x6AA0] =	vst v63  }
0x53: {  	_ =	swait.ge [sflag:s15], $0x50  }
0x54: {  	[sflag:s15] =	ssyncset.done $0x0  }
0x55: {  	[sflag:s15] =	ssyncadd.s32 $0xFFFFFFB0  }
0x56: {  	[tilespmem:s17], [sflag:$0x1] =	stream.indirect.gather [hbm4b:s1+s16], $0x20, s4, s16, $0xb8;
	[tilespmem:$0x6AA0] =	vst v63  }
0x57: {  	_ =	swait.ge [sflag:s15], $0xA00  }
0x58: {  	[sflag:s15] =	ssyncset.done $0x0  }
0x59: {  	[sflag:s15] =	ssyncadd.s32 $0xFFFFF600  }
0x5a: {  	[spmem:s3] =	stream.indirect.scatter.add.f32 [tilespmem:s17], [sflag:$0x1], $0x20, s16, s16, $0xb8;
	[tilespmem:$0x6AA0] =	vst v63  }
0x5b: {  	_ =	swait.ge [sflag:s15], $0xA00  }
0x5c: {  	s20 =	sadd.s32 $0x1, s20;
	[sflag:s15] =	ssyncset.done $0x0  }
0x5d: {  	p0 =	sne.s32 s20, s11;
	[sflag:s15] =	ssyncadd.s32 $0xFFFFF600  }
.Ltmp2:
0x5e: {  	[bflag:$0x0] =	sbarrier.arrive $0xFFFF;
	(pc) =	sbr.rel @p0 .LBB2_1-.Ltmp2, $4  }
0x5f: {  	[hbm:s10], [sflag:s18] =	dma.local [spmem:s19], $0xA00  }
0x60: {  	_ =	swait.ge [sflag:s15], $0xA00  }
0x61: {  	[sflag:s15] =	ssyncset.done $0x0  }
0x62: {  	[sflag:s15] =	ssyncadd.s32 $0xFFFFF600  }
0x63: {  	_ =	sfence.sel $0x180000  }
0x64: {  	[bflag:$0x0] =	sbarrier.arrive $0xFFFF  }
0x65: {  	p0 =	sne.s32 s0, $0x0;
	_ =	strace $0x9000004A  }
0x66: {  	s0 =	sadd.s32 @!p0 $0x100000, s2;
	[bflag:$0x2] =	sbarrier.arrive $0xFFFF  }
0x67: {  	[sflag:s0] =	ssyncadd.tile.s32 @!p0 $0x1;
	_ =	shalt  }
.Lfunc_end2:
_tile_overlayer_lowered:
.L_overlay_start_2:
0x68: {  	(tag) =	ssettag $0x2  }
0x69: {  	s0 =	rddreg [dreg:$0x0];
	s2 =	stileid.u32  }
0x6a: {  	s1 =	rddreg [dreg:$0x1];
	p0 =	sne.s32 s2, $0x0  }
0x6b: {  	s3 =	rddreg [dreg:$0x2];
	[bflag:$0x3] =	sbarrier.arrive $0xFFFF;
	s2 =	simm.s32 @!p0 $0x1C01  }
0x6c: {  	[timem:s3], [sflag:s2] =	dma.local @!p0 [hbm:s0], s1  }
0x6d: {  	s0 =	simm.s32 @!p0 $0x1  }
0x6e: {  	_ =	swait.ge @!p0 [sflag:s0], s1  }
0x6f: {  	s1 =	ssub.s32 @!p0 $0x0, s1;
	[sflag:s0] =	ssyncset.done @!p0 $0x0  }
0x70: {  	[sflag:s0] =	ssyncadd.s32 @!p0 s1  }
0x71: {  	[bflag:$0x3] =	sbarrier.arrive $0xFFFF  }
0x72: {  	_ =	shalt  }

// kernel: kernel.15.cloned.1.call-start
scs
__scs_entry_jumppad:
0x0: {  	(pc) =	sbr.rel $0x88, $3  }
0x1: {  	(tag) =	ssettag $0x0;
	lr =	simm.s32 $0x1  }
0x2: {  	[smem:$0x3F9B] =	sst lr;
	_ =	strace $0xD0000000  }
0x3: {  	_ = 	snop  }
0x4: {  	_ = 	snop  }
0x5: {  	_ = 	snop  }
0x6: {  	_ = 	snop  }
0x7: {  	_ = 	snop  }
__scs_overlays_trampoline_lowered:
0x8: {  	[smem:$0x3FAA] =	sst s0  }
0x9: {  	[smem:$0x3FAB] =	sst s1  }
0xa: {  	[smem:$0x3FAC] =	sst s2  }
0xb: {  	[smem:$0x3FAD] =	sst s3  }
0xc: {  	[smem:$0x3FAE] =	sst s4  }
0xd: {  	[smem:$0x3FAF] =	sst s5  }
0xe: {  	[smem:$0x3FB0] =	sst s6  }
0xf: {  	[smem:$0x3FB1] =	sst s7  }
0x10: {  	[smem:$0x3FB2] =	sst s8  }
0x11: {  	[smem:$0x3FB3] =	sst s9;
	s0 =	simm.s32 @!p0 $0x0  }
0x12: {  	s1 =	sld [smem:$0x3F99];
	s0 =	simm.s32 @p0 $0x1  }
0x13: {  	[smem:$0x3FB4] =	sst s0;
	s0 =	simm.s32 @!p1 $0x0  }
0x14: {  	s2 =	sld [smem:$0x3F98];
	s0 =	simm.s32 @p1 $0x1  }
0x15: {  	[smem:$0x3FB5] =	sst s0;
	s0 =	simm.s32 @!p2 $0x0  }
0x16: {  	s3 =	sld [smem:$0x3FDB];
	s0 =	simm.s32 @p2 $0x1  }
0x17: {  	s4 =	simm.s32 $0x1BF5;
	[smem:$0x3FB7] =	sst s0  }
0x18: {  	s0 =	sld [smem:$0x3F9A];
	_ =	swait.ge [sflag:s4], $0x0  }
0x19: {  	s7 =	sld [smem:$0x3F9B]  }
0x1a: {  	s8 =	sadd.s32 $0xFFFFE003, lr  }
0x1b: {  	s9 =	sadd.s32 $0xFFFFFEF7, lr;
	s5 =	simm.s32 $0xFFFFFFFF;
	p2 =	slt.u32 s8, $0xFFFFF086  }
0x1c: {  	p1 =	slt.u32 s9, $0xF7A;
	s5 =	simm.s32 @!p2 $0x0  }
0x1d: {  	s5 =	simm.s32 @p1 $0x1;
	p0 =	seq.s32 s7, s2  }
0x1e: {  	s7 =	smul.u32 @!p0 $0xF7A, s2;
	p2 =	seq.s32 @!p0 s5, $0x0  }
0x1f: {  	s9 =	smul.u32 $0xF7A, s1;
	s8 =	simm.s32 @!p0 $0x1BF5;
	p2 =	por !p2, p0  }
0x20: {  	[sflag:s8] =	ssyncset.s32 @!p0 $0xFFFFF086;
	s6 =	sadd.s32 @!p0 s3, s7;
	s7 =	simm.s32 @!p0 $0x108  }
0x21: {  	s3 =	sadd.s32 s3, s9;
	s6 =	sadd.s32 @!p0 $0x88, s6;
	s7 =	simm.s32 @p2 $0x1082  }
0x22: {  	[simem:s7], [sflag:s8] =	dma.local @!p0 [hbm:s6], $0xF7A  }
0x23: {  	s9 =	sor.u32 $0xD0000000, s2;
	s6 =	simm.s32 $0x108;
	_ =	swait.ge @!p0 [sflag:s8], $0x0  }
0x24: {  	s3 =	sadd.s32 $0x88, s3;
	s6 =	simm.s32 @!p1 $0x1082;
	[sflag:s4] =	ssyncset.s32 $0xFFFFF086  }
0x25: {  	[simem:s6], [sflag:s4] =	dma.local [hbm:s3], $0xF7A  }
0x26: {  	[smem:$0x3F9B] =	sst s1;
	(tag) =	ssettag s2;
	_ =	strace s9  }
0x27: {  	s1 =	sld [smem:$0x3FAB]  }
0x28: {  	s2 =	sld [smem:$0x3FAC]  }
0x29: {  	s4 =	sld [smem:$0x3FAE]  }
0x2a: {  	p0 =	seq.s32 s5, $0x0;
	s5 =	sld [smem:$0x3FAF]  }
0x2b: {  	s6 =	sld [smem:$0x3FB0]  }
0x2c: {  	s7 =	sld [smem:$0x3FB1]  }
0x2d: {  	s3 =	simm.s32 $0x108;
	s8 =	sld [smem:$0x3FB2]  }
0x2e: {  	s3 =	simm.s32 @!p0 $0x1082;
	s9 =	sld [smem:$0x3FB3]  }
0x2f: {  	lr =	sadd.s32 s0, s3;
	s0 =	sld [smem:$0x3FAA]  }
0x30: {  	s3 =	sld [smem:$0x3FAD]  }
0x31: {  	[smem:$0x3FB6] =	sst s10  }
0x32: {  	s10 =	sld [smem:$0x3FB4];
	_ =	sdelay $0x3  }
0x33: {  	p0 =	seq.s32 s10, $0x1;
	s10 =	sld [smem:$0x3FB6];
	_ =	sdelay $0x3  }
0x34: {  	[smem:$0x3FB6] =	sst s10  }
0x35: {  	s10 =	sld [smem:$0x3FB5];
	_ =	sdelay $0x3  }
0x36: {  	p1 =	seq.s32 s10, $0x1;
	s10 =	sld [smem:$0x3FB6];
	_ =	sdelay $0x3  }
0x37: {  	[smem:$0x3FB6] =	sst s10  }
0x38: {  	s10 =	sld [smem:$0x3FB7]  }
0x39: {  	_ = 	snop;
	(pc) =	sbr.ind lr, $3  }
0x3a: {  	_ = 	snop  }
0x3b: {  	_ = 	snop  }
0x3c: {  	p2 =	seq.s32 s10, $0x1;
	s10 =	sld [smem:$0x3FB6]  }
0x3d: {  	_ =	shalt  }
0x3e: {  	_ =	shalt  }
0x3f: {  	_ =	shalt  }
0x40: {  	_ =	shalt  }
0x41: {  	_ =	shalt  }
0x42: {  	_ =	shalt  }
0x43: {  	_ =	shalt  }
0x44: {  	_ =	shalt  }
0x45: {  	_ =	shalt  }
0x46: {  	_ =	shalt  }
0x47: {  	_ =	shalt  }
0x48: {  	_ =	shalt  }
0x49: {  	_ =	shalt  }
0x4a: {  	_ =	shalt  }
0x4b: {  	_ =	shalt  }
0x4c: {  	_ =	shalt  }
0x4d: {  	_ =	shalt  }
0x4e: {  	_ =	shalt  }
0x4f: {  	_ =	shalt  }
0x50: {  	_ =	shalt  }
0x51: {  	_ =	shalt  }
0x52: {  	_ =	shalt  }
0x53: {  	_ =	shalt  }
0x54: {  	_ =	shalt  }
0x55: {  	_ =	shalt  }
0x56: {  	_ =	shalt  }
0x57: {  	_ =	shalt  }
0x58: {  	_ =	shalt  }
0x59: {  	_ =	shalt  }
0x5a: {  	_ =	shalt  }
0x5b: {  	_ =	shalt  }
0x5c: {  	_ =	shalt  }
0x5d: {  	_ =	shalt  }
0x5e: {  	_ =	shalt  }
0x5f: {  	_ =	shalt  }
0x60: {  	_ =	shalt  }
0x61: {  	_ =	shalt  }
0x62: {  	_ =	shalt  }
0x63: {  	_ =	shalt  }
0x64: {  	_ =	shalt  }
0x65: {  	_ =	shalt  }
0x66: {  	_ =	shalt  }
0x67: {  	_ =	shalt  }
0x68: {  	_ =	shalt  }
0x69: {  	_ =	shalt  }
0x6a: {  	_ =	shalt  }
0x6b: {  	_ =	shalt  }
0x6c: {  	_ =	shalt  }
0x6d: {  	_ =	shalt  }
0x6e: {  	_ =	shalt  }
0x6f: {  	_ =	shalt  }
0x70: {  	_ =	shalt  }
0x71: {  	_ =	shalt  }
0x72: {  	_ =	shalt  }
0x73: {  	_ =	shalt  }
0x74: {  	_ =	shalt  }
0x75: {  	_ =	shalt  }
0x76: {  	_ =	shalt  }
0x77: {  	_ =	shalt  }
0x78: {  	_ =	shalt  }
0x79: {  	_ =	shalt  }
0x7a: {  	_ =	shalt  }
0x7b: {  	_ =	shalt  }
0x7c: {  	_ =	shalt  }
0x7d: {  	_ =	shalt  }
0x7e: {  	_ =	shalt  }
0x7f: {  	_ =	shalt  }
0x80: {  	_ =	shalt  }
0x81: {  	_ =	shalt  }
0x82: {  	_ =	shalt  }
0x83: {  	_ =	shalt  }
0x84: {  	_ =	shalt  }
0x85: {  	_ =	shalt  }
0x86: {  	_ =	shalt  }
0x87: {  	_ =	shalt  }
.Lfunc_end0:
.L_simem_size_0:
called_computation.2_lowered:
.L_overlay_start_0:
0x88: {  	s2 =	sld [smem:$0x3FD9]  }
0x89: {  	s3 =	sld [smem:$0x3FFE];
	_ =	sdelay $0x1  }
0x8a: {  	s1 =	srdreg.scid  }
0x8b: {  	s0 =	sand.u32 $0x1, s1  }
0x8c: {  	s17 =	sshll.u32 s0, $0xA;
	s2 =	sadd.s32 s3, s2  }
0x8d: {  	s2 =	sadd.s32 s2, s17  }
0x8e: {  	[smem:$0x3FC2] =	sst s2  }
0x8f: {  	_ = 	snop  }
0x90: {  	s2 =	sld [smem:$0x3FD0];
	(tm) =	ssettm $0x1  }
0x91: {  	s18 =	sld [smem:$0x3FFB];
	_ =	sdelay $0x3  }
0x92: {  	_ =	strace s18  }
0x93: {  	s3 =	sld [smem:$0x3FFC];
	_ =	sdelay $0x3  }
0x94: {  	_ =	strace s3  }
0x95: {  	s3 =	sld [smem:$0x3FFD];
	_ =	sdelay $0x3  }
0x96: {  	_ =	strace s3  }
0x97: {  	_ =	strace $0x8FFFFFFF  }
0x98: {  	s19 =	sld [smem:$0x3FDB];
	_ =	sdelay $0x1  }
0x99: {  	s4 =	simm.s32 $_scs_section_size  }
0x9a: {  	s5 =	simm.s32 $_size__tile_overlayer_lowered;
	s6 =	simm.s32 $_tile_overlayer_lowered  }
0x9b: {  	s22 =	simm.s32 $0x1BFF;
	s21 =	sshll.u32 s6, $0x1;
	s3 =	sadd.s32 s4, s19  }
0x9c: {  	s7 =	simm.s32 $0x0;
	s20 =	sshll.u32 s5, $0x1;
	s5 =	sadd.s32 s21, s3  }
0x9d: {  	[timem:s7], [sflag:s22] =	dma.local [hbm:s5], s20  }
0x9e: {  	_ =	swait.ge [sflag:s22], s20  }
0x9f: {  	s4 =	ssub.s32 $0x0, s20;
	[sflag:s22] =	ssyncset.done $0x0  }
0xa0: {  	[sflag:s22] =	ssyncadd.s32 s4;
	_ =	sdelay $0x1  }
0xa1: {  	s23 =	simm.s32 $0x1B8B  }
0xa2: {  	_ =	swait.ge [sflag:s23], $0x1  }
0xa3: {  	[sflag:s23] =	ssyncset.done $0x0  }
0xa4: {  	s25 =	simm.s32 $0x1B8E;
	s24 =	sld [smem:$0x3FFE];
	[sflag:s23] =	ssyncadd.s32 $0xFFFFFFFF  }
0xa5: {  	s26 =	simm.s32 $execute0_lowered;
	[smem:$0x3FD2] =	sst s25  }
0xa6: {  	s5 =	sshll.u32 s26, $0x1;
	_ =	strace $0x8000004C;
	[dreg:$0x1] =	wrdreg $0xFFFFFFFF  }
0xa7: {  	s28 =	simm.s32 $_size_execute0_lowered;
	s3 =	sadd.s32 s3, s5;
	[dreg:$0x0] =	wrdreg $0x0  }
0xa8: {  	s5 =	sshll.u32 s28, $0x1;
	[dreg:$0x2] =	wrdreg s3  }
0xa9: {  	[dreg:$0x3] =	wrdreg s5  }
0xaa: {  	[dreg:$0x4] =	wrdreg $0xC0  }
0xab: {  	_ =	task [dreg:s7], $0x5FFFF  }
0xac: {  	[dreg:$0x1] =	wrdreg $0xFFFFFFFF  }
0xad: {  	[dreg:$0x0] =	wrdreg $0x60  }
0xae: {  	[dreg:$0x2] =	wrdreg s2  }
0xaf: {  	[dreg:$0x3] =	wrdreg s24  }
0xb0: {  	[dreg:$0x4] =	wrdreg $0x34A00  }
0xb1: {  	[dreg:$0x5] =	wrdreg $0x9  }
0xb2: {  	_ =	task.clear_ibuf [dreg:s7], $0x6FFFF;
	_ =	strace $0x9000004C  }
0xb3: {  	s29 =	simm.s32 $0x9;
	_ =	strace $0x8000004E  }
0xb4: {  	_ =	swait.ge [sflag:s29], $0x1  }
0xb5: {  	[sflag:s29] =	ssyncadd.s32 $0xFFFFFFFF  }
0xb6: {  	_ =	strace $0x9000004E  }
0xb7: {  	_ =	sfence  }
0xb8: {  	s30 =	sld [smem:$0x0];
	_ =	sdelay $0x2  }
0xb9: {  	s31 =	sshll.u32 s1, $0xD;
	s1 =	sshrl.u32 s1, $0x2  }
0xba: {  	s3 =	sand.u32 $0x4000, s31;
	s1 =	sadd.s32 s1, s30  }
0xbb: {  	s0 =	sor.u32 s3, s0;
	s1 =	sshll.u32 s1, $0x11  }
0xbc: {  	s0 =	sor.u32 s1, s0  }
0xbd: {  	s0 =	sadd.s32 $0x8F2B, s0  }
0xbe: {  	[sflag:s0] =	ssyncadd.remote.s32 $0x1  }
0xbf: {  	_ =	sfence.sel $0xFFFF  }
0xc0: {  	[dreg:$0x0] =	wrdreg $0xFFFFFFFF;
	(pc) =	sbr.abs _section_cstart, $3  }
0xc1: {  	[dreg:$0x1] =	wrdreg $0xFFFFFFFF  }
0xc2: {  	_ =	task.clear_ibuf [dreg:s7], $0x2FFFF;
	_ =	strace $0x9FFFFFFF  }
0xc3: {  	(tm) =	ssettm $0x7FFFFFFF  }
tec
execute0_lowered:
.L_overlay_start_1:
0x0: {  	(tag) =	ssettag $0x1  }
0x1: {  	s1 =	rddreg [dreg:$0x0]  }
0x2: {  	s0 =	srdreg.scid;
	s5 =	rddreg [dreg:$0x1]  }
0x3: {  	s3 =	rddreg [dreg:$0x2];
	s6 =	sand.u32 $0x1, s0  }
0x4: {  	s0 =	stileid.u32;
	s7 =	smul.u32 $0x27100, s6  }
0x5: {  	s2 =	rddreg [dreg:$0x3];
	s4 =	simm.s32 $0x0;
	s8 =	smul.u32 $0x2710, s0  }
0x6: {  	s14 =	simm.s32 $0x14A0;
	s15 =	simm.s32 $0x1;
	s9 =	smul.u32 $0xA000, s0  }
0x7: {  	s16 =	simm.s32 $0x50;
	s17 =	simm.s32 $0xA0;
	s26 =	smul.u32 $0xA0000, s6  }
0x8: {  	s20 =	simm.s32 $0x0;
	[smem:$0x7FF] =	sst s4;
	s10 =	smul.u32 $0x28000, s0  }
0x9: {  	_ =	strace $0x8000004D;
	s6 =	ssub.s32 $0x2, s6;
	s18 =	sshll.u32 s0, $0x6  }
0xa: {  	s31 =	sshrl.u32 s6, $0x1;
	s18 =	sor.u32 $0x1C01, s18;
	s7 =	sadd.s32 s8, s7  }
0xb: {  	s28 =	sadd.s32 s9, s26;
	s29 =	sshrl.u32 s10, $0x2;
	s7 =	sshrl.u32 s7, $0x3  }
0xc: {  	s12 =	ssub.s32 s6, s31;
	s11 =	sadd.s32 s29, s3;
	s13 =	sadd.s32 s7, s5  }
0xd: {  	s7 =	sshrl.u32 s28, $0x3;
	s6 =	sadd.s32 $0x2000, s11;
	s8 =	sadd.s32 $0x6000, s11  }
0xe: {  	s30 =	sadd.s32 s7, s5;
	s5 =	sadd.s32 s9, s3;
	s7 =	sadd.s32 $0x4000, s11  }
0xf: {  	s9 =	sadd.s32 $0x8000, s11;
	s11 =	smax.u32 s12, $0x1;
	s12 =	sadd.s32 $0xB400, s13  }
0x10: {  	v0 =	vimm.f32 $0.0e+00;
	s13 =	sadd.s32 $0x1600, s13;
	s10 =	sadd.s32 $0x15200, s30;
	s19 =	sshrl.u32 s5, $0x3  }
.LBB2_1:
0x11: {  	s22 =	simm.s32 $0x100;
	s21 =	simm.s32 $0x0  }
.LBB2_2:
0x12: {  	p0 =	sne.s32 s22, $0x7F00;
	[tilespmem:s21+$0x14D0] =	vst v0;
	s23 =	smov.u32 s22;
	s22 =	sadd.s32 $0x100, s22  }
.Ltmp0:
0x13: {  	[tilespmem:s21+$0x14C0] =	vst v0;
	(pc) =	sbr.rel @p0 .LBB2_2-.Ltmp0, $3  }
0x14: {  	[tilespmem:s21+$0x14A0] =	vst v0  }
0x15: {  	[tilespmem:s21+$0x14B0] =	vst v0;
	_ =	sdelay $0x1  }
0x16: {  	s21 =	sshra.s32 s23, $0x2  }
0x17: {  	[tilespmem:s21+$0x14D0] =	vst v0  }
0x18: {  	[tilespmem:s21+$0x14C0] =	vst v0  }
0x19: {  	[tilespmem:s21+$0x14A0] =	vst v0  }
0x1a: {  	[tilespmem:s21+$0x14B0] =	vst v0  }
0x1b: {  	[spmem:s5] =	stream.linear.scatter [tilespmem:s14], [sflag:$0x1], $0x2000, $0x38;
	[tilespmem:$0xD4A0] =	vst v63  }
0x1c: {  	_ =	swait.ge [sflag:s15], $0x2000  }
0x1d: {  	[sflag:s15] =	ssyncset.done $0x0  }
0x1e: {  	[sflag:s15] =	ssyncadd.s32 $0xFFFFE000  }
0x1f: {  	[spmem:s6] =	stream.linear.scatter [tilespmem:s14], [sflag:$0x1], $0x2000, $0x38;
	[tilespmem:$0xD4A0] =	vst v63  }
0x20: {  	_ =	swait.ge [sflag:s15], $0x2000  }
0x21: {  	[sflag:s15] =	ssyncset.done $0x0  }
0x22: {  	[sflag:s15] =	ssyncadd.s32 $0xFFFFE000  }
0x23: {  	[spmem:s7] =	stream.linear.scatter [tilespmem:s14], [sflag:$0x1], $0x2000, $0x38;
	[tilespmem:$0xD4A0] =	vst v63  }
0x24: {  	_ =	swait.ge [sflag:s15], $0x2000  }
0x25: {  	[sflag:s15] =	ssyncset.done $0x0  }
0x26: {  	[sflag:s15] =	ssyncadd.s32 $0xFFFFE000  }
0x27: {  	[spmem:s8] =	stream.linear.scatter [tilespmem:s14], [sflag:$0x1], $0x2000, $0x38;
	[tilespmem:$0xD4A0] =	vst v63  }
0x28: {  	_ =	swait.ge [sflag:s15], $0x2000  }
0x29: {  	[sflag:s15] =	ssyncset.done $0x0  }
0x2a: {  	[sflag:s15] =	ssyncadd.s32 $0xFFFFE000  }
0x2b: {  	[spmem:s9] =	stream.linear.scatter [tilespmem:s14], [sflag:$0x1], $0x2000, $0x38;
	[tilespmem:$0xD4A0] =	vst v63  }
0x2c: {  	_ =	swait.ge [sflag:s15], $0x2000  }
0x2d: {  	[sflag:s15] =	ssyncset.done $0x0  }
0x2e: {  	[sflag:s15] =	ssyncadd.s32 $0xFFFFE000  }
0x2f: {  	s30 =	sadd.s32 $0x0, s13;
	[bflag:$0x0] =	sbarrier.arrive $0xFFFF  }
0x30: {  	[tilespmem:s4], [sflag:$0x1] =	stream.linear.gather [hbm4b:s30+s4], $0x50, $0x38;
	[tilespmem:$0xD4A0] =	vst v63  }
0x31: {  	_ =	swait.ge [sflag:s15], $0x50  }
0x32: {  	[sflag:s15] =	ssyncset.done $0x0  }
0x33: {  	s31 =	sadd.s32 $0x0, s12;
	[sflag:s15] =	ssyncadd.s32 $0xFFFFFFB0  }
0x34: {  	[tilespmem:s16], [sflag:$0x1] =	stream.linear.gather [hbm4b:s31+s4], $0x50, $0x38;
	[tilespmem:$0xD4A0] =	vst v63  }
0x35: {  	_ =	swait.ge [sflag:s15], $0x50  }
0x36: {  	[sflag:s15] =	ssyncset.done $0x0  }
0x37: {  	[sflag:s15] =	ssyncadd.s32 $0xFFFFFFB0  }
0x38: {  	[tilespmem:s17], [sflag:$0x1] =	stream.indirect.gather [hbm4b:s1+s16], $0x40, s4, s16, $0xb8;
	[tilespmem:$0xD4A0] =	vst v63  }
0x39: {  	_ =	swait.ge [sflag:s15], $0x1400  }
0x3a: {  	[sflag:s15] =	ssyncset.done $0x0  }
0x3b: {  	[sflag:s15] =	ssyncadd.s32 $0xFFFFEC00  }
0x3c: {  	[spmem:s3] =	stream.indirect.scatter.add.f32 [tilespmem:s17], [sflag:$0x1], $0x40, s16, s16, $0xb8;
	[tilespmem:$0xD4A0] =	vst v63  }
0x3d: {  	_ =	swait.ge [sflag:s15], $0x1400  }
0x3e: {  	s21 =	simm.s32 $0xA;
	s22 =	simm.s32 $0x14;
	[sflag:s15] =	ssyncset.done $0x0  }
.LBB2_4:
0x3f: {  	s23 =	sadd.s32 s21, s13  }
0x40: {  	[sflag:s15] =	ssyncadd.s32 $0xFFFFEC00;
	s24 =	smov.u32 s22;
	s25 =	sadd.s32 $0xA, s22  }
0x41: {  	[tilespmem:s4], [sflag:$0x1] =	stream.linear.gather [hbm4b:s23+s4], $0x50, $0x38;
	[tilespmem:$0xD4A0] =	vst v63  }
0x42: {  	p0 =	sne.s32 s22, $0x4D8;
	_ =	swait.ge [sflag:s15], $0x50  }
0x43: {  	[sflag:s15] =	ssyncset.done $0x0  }
0x44: {  	s22 =	sadd.s32 s21, s12;
	s21 =	smov.u32 s24;
	[sflag:s15] =	ssyncadd.s32 $0xFFFFFFB0  }
0x45: {  	[tilespmem:s16], [sflag:$0x1] =	stream.linear.gather [hbm4b:s22+s4], $0x50, $0x38;
	[tilespmem:$0xD4A0] =	vst v63  }
0x46: {  	_ =	swait.ge [sflag:s15], $0x50  }
0x47: {  	[sflag:s15] =	ssyncset.done $0x0  }
0x48: {  	[sflag:s15] =	ssyncadd.s32 $0xFFFFFFB0  }
0x49: {  	[tilespmem:s17], [sflag:$0x1] =	stream.indirect.gather [hbm4b:s1+s16], $0x40, s4, s16, $0xb8;
	[tilespmem:$0xD4A0] =	vst v63  }
0x4a: {  	_ =	swait.ge [sflag:s15], $0x1400  }
.Ltmp1:
0x4b: {  	[sflag:s15] =	ssyncset.done $0x0;
	(pc) =	sbr.rel @p0 .LBB2_4-.Ltmp1, $4  }
0x4c: {  	[sflag:s15] =	ssyncadd.s32 $0xFFFFEC00  }
0x4d: {  	[spmem:s3] =	stream.indirect.scatter.add.f32 [tilespmem:s17], [sflag:$0x1], $0x40, s16, s16, $0xb8;
	[tilespmem:$0xD4A0] =	vst v63  }
0x4e: {  	_ =	swait.ge [sflag:s15], $0x1400  }
0x4f: {  	s22 =	smov.u32 s25;
	[sflag:s15] =	ssyncset.done $0x0  }
0x50: {  	s22 =	sadd.s32 s21, s13;
	[sflag:s15] =	ssyncadd.s32 $0xFFFFEC00  }
0x51: {  	[tilespmem:s4], [sflag:$0x1] =	stream.linear.gather [hbm4b:s22+s4], $0x50, $0x38;
	[tilespmem:$0xD4A0] =	vst v63  }
0x52: {  	_ =	swait.ge [sflag:s15], $0x50  }
0x53: {  	[sflag:s15] =	ssyncset.done $0x0  }
0x54: {  	s31 =	sadd.s32 s21, s12;
	[sflag:s15] =	ssyncadd.s32 $0xFFFFFFB0  }
0x55: {  	[tilespmem:s16], [sflag:$0x1] =	stream.linear.gather [hbm4b:s31+s4], $0x50, $0x38;
	[tilespmem:$0xD4A0] =	vst v63  }
0x56: {  	_ =	swait.ge [sflag:s15], $0x50  }
0x57: {  	[sflag:s15] =	ssyncset.done $0x0  }
0x58: {  	[sflag:s15] =	ssyncadd.s32 $0xFFFFFFB0  }
0x59: {  	[tilespmem:s17], [sflag:$0x1] =	stream.indirect.gather [hbm4b:s1+s16], $0x40, s4, s16, $0xb8;
	[tilespmem:$0xD4A0] =	vst v63  }
0x5a: {  	_ =	swait.ge [sflag:s15], $0x1400  }
0x5b: {  	[sflag:s15] =	ssyncset.done $0x0  }
0x5c: {  	[sflag:s15] =	ssyncadd.s32 $0xFFFFEC00  }
0x5d: {  	[spmem:s3] =	stream.indirect.scatter.add.f32 [tilespmem:s17], [sflag:$0x1], $0x40, s16, s16, $0xb8;
	[tilespmem:$0xD4A0] =	vst v63  }
0x5e: {  	_ =	swait.ge [sflag:s15], $0x1400  }
0x5f: {  	s20 =	sadd.s32 $0x1, s20;
	[sflag:s15] =	ssyncset.done $0x0  }
0x60: {  	p0 =	sne.s32 s20, s11;
	[sflag:s15] =	ssyncadd.s32 $0xFFFFEC00  }
.Ltmp2:
0x61: {  	[bflag:$0x0] =	sbarrier.arrive $0xFFFF;
	(pc) =	sbr.rel @p0 .LBB2_1-.Ltmp2, $4  }
0x62: {  	[hbm:s10], [sflag:s18] =	dma.local [spmem:s19], $0x1400  }
0x63: {  	_ =	swait.ge [sflag:s15], $0x1400  }
0x64: {  	[sflag:s15] =	ssyncset.done $0x0  }
0x65: {  	[sflag:s15] =	ssyncadd.s32 $0xFFFFEC00  }
0x66: {  	_ =	sfence.sel $0x180000  }
0x67: {  	[bflag:$0x0] =	sbarrier.arrive $0xFFFF  }
0x68: {  	p0 =	sne.s32 s0, $0x0;
	_ =	strace $0x9000004D  }
0x69: {  	s0 =	sadd.s32 @!p0 $0x100000, s2;
	[bflag:$0x2] =	sbarrier.arrive $0xFFFF  }
0x6a: {  	[sflag:s0] =	ssyncadd.tile.s32 @!p0 $0x1;
	_ =	shalt  }
.Lfunc_end2:
_tile_overlayer_lowered:
.L_overlay_start_2:
0x6b: {  	(tag) =	ssettag $0x2  }
0x6c: {  	s0 =	rddreg [dreg:$0x0];
	s2 =	stileid.u32  }
0x6d: {  	s1 =	rddreg [dreg:$0x1];
	p0 =	sne.s32 s2, $0x0  }
0x6e: {  	s3 =	rddreg [dreg:$0x2];
	[bflag:$0x3] =	sbarrier.arrive $0xFFFF;
	s2 =	simm.s32 @!p0 $0x1C01  }
0x6f: {  	[timem:s3], [sflag:s2] =	dma.local @!p0 [hbm:s0], s1  }
0x70: {  	s0 =	simm.s32 @!p0 $0x1  }
0x71: {  	_ =	swait.ge @!p0 [sflag:s0], s1  }
0x72: {  	s1 =	ssub.s32 @!p0 $0x0, s1;
	[sflag:s0] =	ssyncset.done @!p0 $0x0  }
0x73: {  	[sflag:s0] =	ssyncadd.s32 @!p0 s1  }
0x74: {  	[bflag:$0x3] =	sbarrier.arrive $0xFFFF  }
0x75: {  	_ =	shalt  }

// kernel: kernel.9.cloned.1.call-start
scs
__scs_entry_jumppad:
0x0: {  	(pc) =	sbr.rel $0x88, $3  }
0x1: {  	(tag) =	ssettag $0x0;
	lr =	simm.s32 $0x1  }
0x2: {  	[smem:$0x3F9B] =	sst lr;
	_ =	strace $0xD0000000  }
0x3: {  	_ = 	snop  }
0x4: {  	_ = 	snop  }
0x5: {  	_ = 	snop  }
0x6: {  	_ = 	snop  }
0x7: {  	_ = 	snop  }
__scs_overlays_trampoline_lowered:
0x8: {  	[smem:$0x3FAA] =	sst s0  }
0x9: {  	[smem:$0x3FAB] =	sst s1  }
0xa: {  	[smem:$0x3FAC] =	sst s2  }
0xb: {  	[smem:$0x3FAD] =	sst s3  }
0xc: {  	[smem:$0x3FAE] =	sst s4  }
0xd: {  	[smem:$0x3FAF] =	sst s5  }
0xe: {  	[smem:$0x3FB0] =	sst s6  }
0xf: {  	[smem:$0x3FB1] =	sst s7  }
0x10: {  	[smem:$0x3FB2] =	sst s8  }
0x11: {  	[smem:$0x3FB3] =	sst s9;
	s0 =	simm.s32 @!p0 $0x0  }
0x12: {  	s1 =	sld [smem:$0x3F99];
	s0 =	simm.s32 @p0 $0x1  }
0x13: {  	[smem:$0x3FB4] =	sst s0;
	s0 =	simm.s32 @!p1 $0x0  }
0x14: {  	s2 =	sld [smem:$0x3F98];
	s0 =	simm.s32 @p1 $0x1  }
0x15: {  	[smem:$0x3FB5] =	sst s0;
	s0 =	simm.s32 @!p2 $0x0  }
0x16: {  	s3 =	sld [smem:$0x3FDB];
	s0 =	simm.s32 @p2 $0x1  }
0x17: {  	s4 =	simm.s32 $0x1BF5;
	[smem:$0x3FB7] =	sst s0  }
0x18: {  	s0 =	sld [smem:$0x3F9A];
	_ =	swait.ge [sflag:s4], $0x0  }
0x19: {  	s7 =	sld [smem:$0x3F9B]  }
0x1a: {  	s8 =	sadd.s32 $0xFFFFE003, lr  }
0x1b: {  	s9 =	sadd.s32 $0xFFFFFEF7, lr;
	s5 =	simm.s32 $0xFFFFFFFF;
	p2 =	slt.u32 s8, $0xFFFFF086  }
0x1c: {  	p1 =	slt.u32 s9, $0xF7A;
	s5 =	simm.s32 @!p2 $0x0  }
0x1d: {  	s5 =	simm.s32 @p1 $0x1;
	p0 =	seq.s32 s7, s2  }
0x1e: {  	s7 =	smul.u32 @!p0 $0xF7A, s2;
	p2 =	seq.s32 @!p0 s5, $0x0  }
0x1f: {  	s9 =	smul.u32 $0xF7A, s1;
	s8 =	simm.s32 @!p0 $0x1BF5;
	p2 =	por !p2, p0  }
0x20: {  	[sflag:s8] =	ssyncset.s32 @!p0 $0xFFFFF086;
	s6 =	sadd.s32 @!p0 s3, s7;
	s7 =	simm.s32 @!p0 $0x108  }
0x21: {  	s3 =	sadd.s32 s3, s9;
	s6 =	sadd.s32 @!p0 $0x88, s6;
	s7 =	simm.s32 @p2 $0x1082  }
0x22: {  	[simem:s7], [sflag:s8] =	dma.local @!p0 [hbm:s6], $0xF7A  }
0x23: {  	s9 =	sor.u32 $0xD0000000, s2;
	s6 =	simm.s32 $0x108;
	_ =	swait.ge @!p0 [sflag:s8], $0x0  }
0x24: {  	s3 =	sadd.s32 $0x88, s3;
	s6 =	simm.s32 @!p1 $0x1082;
	[sflag:s4] =	ssyncset.s32 $0xFFFFF086  }
0x25: {  	[simem:s6], [sflag:s4] =	dma.local [hbm:s3], $0xF7A  }
0x26: {  	[smem:$0x3F9B] =	sst s1;
	(tag) =	ssettag s2;
	_ =	strace s9  }
0x27: {  	s1 =	sld [smem:$0x3FAB]  }
0x28: {  	s2 =	sld [smem:$0x3FAC]  }
0x29: {  	s4 =	sld [smem:$0x3FAE]  }
0x2a: {  	p0 =	seq.s32 s5, $0x0;
	s5 =	sld [smem:$0x3FAF]  }
0x2b: {  	s6 =	sld [smem:$0x3FB0]  }
0x2c: {  	s7 =	sld [smem:$0x3FB1]  }
0x2d: {  	s3 =	simm.s32 $0x108;
	s8 =	sld [smem:$0x3FB2]  }
0x2e: {  	s3 =	simm.s32 @!p0 $0x1082;
	s9 =	sld [smem:$0x3FB3]  }
0x2f: {  	lr =	sadd.s32 s0, s3;
	s0 =	sld [smem:$0x3FAA]  }
0x30: {  	s3 =	sld [smem:$0x3FAD]  }
0x31: {  	[smem:$0x3FB6] =	sst s10  }
0x32: {  	s10 =	sld [smem:$0x3FB4];
	_ =	sdelay $0x3  }
0x33: {  	p0 =	seq.s32 s10, $0x1;
	s10 =	sld [smem:$0x3FB6];
	_ =	sdelay $0x3  }
0x34: {  	[smem:$0x3FB6] =	sst s10  }
0x35: {  	s10 =	sld [smem:$0x3FB5];
	_ =	sdelay $0x3  }
0x36: {  	p1 =	seq.s32 s10, $0x1;
	s10 =	sld [smem:$0x3FB6];
	_ =	sdelay $0x3  }
0x37: {  	[smem:$0x3FB6] =	sst s10  }
0x38: {  	s10 =	sld [smem:$0x3FB7]  }
0x39: {  	_ = 	snop;
	(pc) =	sbr.ind lr, $3  }
0x3a: {  	_ = 	snop  }
0x3b: {  	_ = 	snop  }
0x3c: {  	p2 =	seq.s32 s10, $0x1;
	s10 =	sld [smem:$0x3FB6]  }
0x3d: {  	_ =	shalt  }
0x3e: {  	_ =	shalt  }
0x3f: {  	_ =	shalt  }
0x40: {  	_ =	shalt  }
0x41: {  	_ =	shalt  }
0x42: {  	_ =	shalt  }
0x43: {  	_ =	shalt  }
0x44: {  	_ =	shalt  }
0x45: {  	_ =	shalt  }
0x46: {  	_ =	shalt  }
0x47: {  	_ =	shalt  }
0x48: {  	_ =	shalt  }
0x49: {  	_ =	shalt  }
0x4a: {  	_ =	shalt  }
0x4b: {  	_ =	shalt  }
0x4c: {  	_ =	shalt  }
0x4d: {  	_ =	shalt  }
0x4e: {  	_ =	shalt  }
0x4f: {  	_ =	shalt  }
0x50: {  	_ =	shalt  }
0x51: {  	_ =	shalt  }
0x52: {  	_ =	shalt  }
0x53: {  	_ =	shalt  }
0x54: {  	_ =	shalt  }
0x55: {  	_ =	shalt  }
0x56: {  	_ =	shalt  }
0x57: {  	_ =	shalt  }
0x58: {  	_ =	shalt  }
0x59: {  	_ =	shalt  }
0x5a: {  	_ =	shalt  }
0x5b: {  	_ =	shalt  }
0x5c: {  	_ =	shalt  }
0x5d: {  	_ =	shalt  }
0x5e: {  	_ =	shalt  }
0x5f: {  	_ =	shalt  }
0x60: {  	_ =	shalt  }
0x61: {  	_ =	shalt  }
0x62: {  	_ =	shalt  }
0x63: {  	_ =	shalt  }
0x64: {  	_ =	shalt  }
0x65: {  	_ =	shalt  }
0x66: {  	_ =	shalt  }
0x67: {  	_ =	shalt  }
0x68: {  	_ =	shalt  }
0x69: {  	_ =	shalt  }
0x6a: {  	_ =	shalt  }
0x6b: {  	_ =	shalt  }
0x6c: {  	_ =	shalt  }
0x6d: {  	_ =	shalt  }
0x6e: {  	_ =	shalt  }
0x6f: {  	_ =	shalt  }
0x70: {  	_ =	shalt  }
0x71: {  	_ =	shalt  }
0x72: {  	_ =	shalt  }
0x73: {  	_ =	shalt  }
0x74: {  	_ =	shalt  }
0x75: {  	_ =	shalt  }
0x76: {  	_ =	shalt  }
0x77: {  	_ =	shalt  }
0x78: {  	_ =	shalt  }
0x79: {  	_ =	shalt  }
0x7a: {  	_ =	shalt  }
0x7b: {  	_ =	shalt  }
0x7c: {  	_ =	shalt  }
0x7d: {  	_ =	shalt  }
0x7e: {  	_ =	shalt  }
0x7f: {  	_ =	shalt  }
0x80: {  	_ =	shalt  }
0x81: {  	_ =	shalt  }
0x82: {  	_ =	shalt  }
0x83: {  	_ =	shalt  }
0x84: {  	_ =	shalt  }
0x85: {  	_ =	shalt  }
0x86: {  	_ =	shalt  }
0x87: {  	_ =	shalt  }
.Lfunc_end0:
.L_simem_size_0:
called_computation_lowered:
.L_overlay_start_0:
0x88: {  	s2 =	sld [smem:$0x3FD9]  }
0x89: {  	s3 =	sld [smem:$0x3FFE];
	_ =	sdelay $0x1  }
0x8a: {  	s1 =	srdreg.scid  }
0x8b: {  	s0 =	sand.u32 $0x1, s1  }
0x8c: {  	s17 =	sshll.u32 s0, $0xA;
	s2 =	sadd.s32 s3, s2  }
0x8d: {  	s2 =	sadd.s32 s2, s17  }
0x8e: {  	[smem:$0x3FC2] =	sst s2  }
0x8f: {  	_ = 	snop  }
0x90: {  	s2 =	sld [smem:$0x3FD0];
	(tm) =	ssettm $0x1  }
0x91: {  	s18 =	sld [smem:$0x3FFB];
	_ =	sdelay $0x3  }
0x92: {  	_ =	strace s18  }
0x93: {  	s3 =	sld [smem:$0x3FFC];
	_ =	sdelay $0x3  }
0x94: {  	_ =	strace s3  }
0x95: {  	s3 =	sld [smem:$0x3FFD];
	_ =	sdelay $0x3  }
0x96: {  	_ =	strace s3  }
0x97: {  	_ =	strace $0x8FFFFFFF  }
0x98: {  	s19 =	sld [smem:$0x3FDB];
	_ =	sdelay $0x1  }
0x99: {  	s4 =	simm.s32 $_scs_section_size  }
0x9a: {  	s5 =	simm.s32 $_size__tile_overlayer_lowered;
	s6 =	simm.s32 $_tile_overlayer_lowered  }
0x9b: {  	s22 =	simm.s32 $0x1BFF;
	s21 =	sshll.u32 s6, $0x1;
	s3 =	sadd.s32 s4, s19  }
0x9c: {  	s7 =	simm.s32 $0x0;
	s20 =	sshll.u32 s5, $0x1;
	s5 =	sadd.s32 s21, s3  }
0x9d: {  	[timem:s7], [sflag:s22] =	dma.local [hbm:s5], s20  }
0x9e: {  	_ =	swait.ge [sflag:s22], s20  }
0x9f: {  	s4 =	ssub.s32 $0x0, s20;
	[sflag:s22] =	ssyncset.done $0x0  }
0xa0: {  	[sflag:s22] =	ssyncadd.s32 s4;
	_ =	sdelay $0x1  }
0xa1: {  	s23 =	simm.s32 $0x1B8B  }
0xa2: {  	_ =	swait.ge [sflag:s23], $0x1  }
0xa3: {  	[sflag:s23] =	ssyncset.done $0x0  }
0xa4: {  	s25 =	simm.s32 $0x1B8E;
	s24 =	sld [smem:$0x3FFE];
	[sflag:s23] =	ssyncadd.s32 $0xFFFFFFFF  }
0xa5: {  	s26 =	simm.s32 $execute0_lowered;
	[smem:$0x3FD2] =	sst s25  }
0xa6: {  	s5 =	sshll.u32 s26, $0x1;
	_ =	strace $0x80000046;
	[dreg:$0x1] =	wrdreg $0xFFFFFFFF  }
0xa7: {  	s28 =	simm.s32 $_size_execute0_lowered;
	s3 =	sadd.s32 s3, s5;
	[dreg:$0x0] =	wrdreg $0x0  }
0xa8: {  	s5 =	sshll.u32 s28, $0x1;
	[dreg:$0x2] =	wrdreg s3  }
0xa9: {  	[dreg:$0x3] =	wrdreg s5  }
0xaa: {  	[dreg:$0x4] =	wrdreg $0xC0  }
0xab: {  	_ =	task [dreg:s7], $0x5FFFF  }
0xac: {  	[dreg:$0x1] =	wrdreg $0xFFFFFFFF  }
0xad: {  	[dreg:$0x0] =	wrdreg $0x60  }
0xae: {  	[dreg:$0x2] =	wrdreg s24  }
0xaf: {  	[dreg:$0x3] =	wrdreg s2  }
0xb0: {  	[dreg:$0x4] =	wrdreg $0xD500  }
0xb1: {  	[dreg:$0x5] =	wrdreg $0x9  }
0xb2: {  	_ =	task.clear_ibuf [dreg:s7], $0x6FFFF;
	_ =	strace $0x90000046  }
0xb3: {  	s29 =	simm.s32 $0x9;
	_ =	strace $0x80000048  }
0xb4: {  	_ =	swait.ge [sflag:s29], $0x1  }
0xb5: {  	[sflag:s29] =	ssyncadd.s32 $0xFFFFFFFF  }
0xb6: {  	_ =	strace $0x90000048  }
0xb7: {  	_ =	sfence  }
0xb8: {  	s30 =	sld [smem:$0x0];
	_ =	sdelay $0x2  }
0xb9: {  	s31 =	sshll.u32 s1, $0xD;
	s1 =	sshrl.u32 s1, $0x2  }
0xba: {  	s3 =	sand.u32 $0x4000, s31;
	s1 =	sadd.s32 s1, s30  }
0xbb: {  	s0 =	sor.u32 s3, s0;
	s1 =	sshll.u32 s1, $0x11  }
0xbc: {  	s0 =	sor.u32 s1, s0  }
0xbd: {  	s0 =	sadd.s32 $0x8F2B, s0  }
0xbe: {  	[sflag:s0] =	ssyncadd.remote.s32 $0x1  }
0xbf: {  	_ =	sfence.sel $0xFFFF  }
0xc0: {  	[dreg:$0x0] =	wrdreg $0xFFFFFFFF;
	(pc) =	sbr.abs _section_cstart, $3  }
0xc1: {  	[dreg:$0x1] =	wrdreg $0xFFFFFFFF  }
0xc2: {  	_ =	task.clear_ibuf [dreg:s7], $0x2FFFF;
	_ =	strace $0x9FFFFFFF  }
0xc3: {  	(tm) =	ssettm $0x7FFFFFFF  }
tec
execute0_lowered:
.L_overlay_start_1:
0x0: {  	(tag) =	ssettag $0x1  }
0x1: {  	s4 =	rddreg [dreg:$0x0]  }
0x2: {  	s9 =	rddreg [dreg:$0x1];
	s2 =	srdreg.scid  }
0x3: {  	s1 =	rddreg [dreg:$0x2];
	s5 =	sand.u32 $0x1, s2  }
0x4: {  	s2 =	stileid.u32;
	s6 =	smul.u32 $0x27100, s5  }
0x5: {  	s0 =	rddreg [dreg:$0x3];
	s3 =	simm.s32 $0x0;
	s7 =	smul.u32 $0x2710, s2  }
0x6: {  	s14 =	simm.s32 $0x50;
	[smem:$0x7FF] =	sst s3;
	s8 =	smul.u32 $0x2800, s2  }
0x7: {  	s17 =	simm.s32 $0x0;
	_ =	strace $0x80000047;
	s10 =	smul.u32 $0xA000, s2  }
0x8: {  	s29 =	ssub.s32 $0x2, s5;
	s5 =	smul.u32 $0x28000, s5;
	s15 =	sshll.u32 s2, $0x6  }
0x9: {  	s11 =	sshrl.u32 s29, $0x1;
	s15 =	sor.u32 $0x1C01, s15;
	s6 =	sadd.s32 s7, s6  }
0xa: {  	s11 =	ssub.s32 s29, s11;
	s30 =	sshrl.u32 s10, $0x2;
	s31 =	sadd.s32 s8, s5  }
0xb: {  	s6 =	sshrl.u32 s6, $0x3;
	s10 =	sadd.s32 s30, s1;
	s13 =	sshrl.u32 s31, $0x3  }
0xc: {  	s12 =	sadd.s32 s6, s4;
	s4 =	sadd.s32 s8, s1;
	s5 =	sadd.s32 $0x800, s10  }
0xd: {  	s6 =	sadd.s32 $0x1000, s10;
	s7 =	sadd.s32 $0x1800, s10;
	s8 =	sadd.s32 $0x2000, s10  }
0xe: {  	s9 =	sadd.s32 s9, s13;
	s10 =	smax.u32 s11, $0x1;
	s13 =	simm.s32 $0x1  }
0xf: {  	v0 =	vimm.f32 $1.000000000e+00;
	v1 =	vimm.f32 $0.0e+00;
	s11 =	sadd.s32 $0xB400, s12;
	s12 =	simm.s32 $0x550;
	s16 =	sshrl.u32 s4, $0x3  }
.LBB2_1:
0x10: {  	s18 =	simm.s32 $0x0  }
.LBB2_2:
0x11: {  	p0 =	sne.s32 s18, $0x13C0  }
.Ltmp0:
0x12: {  	_ = 	snop;
	(pc) =	sbr.rel @p0 .LBB2_2-.Ltmp0, $3  }
0x13: {  	_ =	sdelay $0x1  }
0x14: {  	s19 =	sshra.s32 s18, $0x2  }
0x15: {  	s18 =	sadd.s32 $0x40, s18;
	[tilespmem:s19+$0x50] =	vst v0  }
0x16: {  	s18 =	simm.s32 $0x40;
	s19 =	simm.s32 $0x0  }
.LBB2_4:
0x17: {  	p0 =	sne.s32 s18, $0x1FC0;
	[tilespmem:s19+$0x550] =	vst v1;
	s19 =	smov.u32 s18;
	s18 =	sadd.s32 $0x40, s18  }
.Ltmp1:
0x18: {  	(pc) =	sbr.rel @p0 .LBB2_4-.Ltmp1, $2  }
0x19: {  	_ =	sdelay $0x2  }
0x1a: {  	s19 =	sshra.s32 s19, $0x2  }
0x1b: {  	[tilespmem:s19+$0x550] =	vst v1  }
0x1c: {  	[spmem:s4] =	stream.linear.scatter [tilespmem:s12], [sflag:$0x1], $0x800, $0x38;
	[tilespmem:$0x3550] =	vst v63  }
0x1d: {  	_ =	swait.ge [sflag:s13], $0x800  }
0x1e: {  	[sflag:s13] =	ssyncset.done $0x0  }
0x1f: {  	[sflag:s13] =	ssyncadd.s32 $0xFFFFF800  }
0x20: {  	[spmem:s5] =	stream.linear.scatter [tilespmem:s12], [sflag:$0x1], $0x800, $0x38;
	[tilespmem:$0x3550] =	vst v63  }
0x21: {  	_ =	swait.ge [sflag:s13], $0x800  }
0x22: {  	[sflag:s13] =	ssyncset.done $0x0  }
0x23: {  	[sflag:s13] =	ssyncadd.s32 $0xFFFFF800  }
0x24: {  	[spmem:s6] =	stream.linear.scatter [tilespmem:s12], [sflag:$0x1], $0x800, $0x38;
	[tilespmem:$0x3550] =	vst v63  }
0x25: {  	_ =	swait.ge [sflag:s13], $0x800  }
0x26: {  	[sflag:s13] =	ssyncset.done $0x0  }
0x27: {  	[sflag:s13] =	ssyncadd.s32 $0xFFFFF800  }
0x28: {  	[spmem:s7] =	stream.linear.scatter [tilespmem:s12], [sflag:$0x1], $0x800, $0x38;
	[tilespmem:$0x3550] =	vst v63  }
0x29: {  	_ =	swait.ge [sflag:s13], $0x800  }
0x2a: {  	[sflag:s13] =	ssyncset.done $0x0  }
0x2b: {  	[sflag:s13] =	ssyncadd.s32 $0xFFFFF800  }
0x2c: {  	[spmem:s8] =	stream.linear.scatter [tilespmem:s12], [sflag:$0x1], $0x800, $0x38;
	[tilespmem:$0x3550] =	vst v63  }
0x2d: {  	_ =	swait.ge [sflag:s13], $0x800  }
0x2e: {  	[sflag:s13] =	ssyncset.done $0x0  }
0x2f: {  	[sflag:s13] =	ssyncadd.s32 $0xFFFFF800  }
0x30: {  	s18 =	sadd.s32 $0x0, s11;
	[bflag:$0x0] =	sbarrier.arrive $0xFFFF  }
0x31: {  	[tilespmem:s3], [sflag:$0x1] =	stream.linear.gather [hbm4b:s18+s3], $0x50, $0x38;
	[tilespmem:$0x3550] =	vst v63  }
0x32: {  	_ =	swait.ge [sflag:s13], $0x50  }
0x33: {  	[sflag:s13] =	ssyncset.done $0x0  }
0x34: {  	[sflag:s13] =	ssyncadd.s32 $0xFFFFFFB0  }
0x35: {  	[spmem:s1] =	stream.indirect.scatter.add.f32 [tilespmem:s14], [sflag:$0x1], $0x10, s3, s14, $0xb8;
	[tilespmem:$0x3550] =	vst v63  }
0x36: {  	_ =	swait.ge [sflag:s13], $0x500  }
0x37: {  	s19 =	simm.s32 $0x14;
	s18 =	simm.s32 $0xA;
	[sflag:s13] =	ssyncset.done $0x0  }
.LBB2_6:
0x38: {  	s20 =	sadd.s32 s18, s11  }
0x39: {  	[sflag:s13] =	ssyncadd.s32 $0xFFFFFB00;
	s18 =	smov.u32 s19;
	s21 =	sadd.s32 $0xA, s19  }
0x3a: {  	[tilespmem:s3], [sflag:$0x1] =	stream.linear.gather [hbm4b:s20+s3], $0x50, $0x38;
	[tilespmem:$0x3550] =	vst v63  }
0x3b: {  	p0 =	sne.s32 s19, $0x4D8;
	_ =	swait.ge [sflag:s13], $0x50  }
.Ltmp2:
0x3c: {  	[sflag:s13] =	ssyncset.done $0x0;
	(pc) =	sbr.rel @p0 .LBB2_6-.Ltmp2, $4  }
0x3d: {  	[sflag:s13] =	ssyncadd.s32 $0xFFFFFFB0  }
0x3e: {  	[spmem:s1] =	stream.indirect.scatter.add.f32 [tilespmem:s14], [sflag:$0x1], $0x10, s3, s14, $0xb8;
	[tilespmem:$0x3550] =	vst v63  }
0x3f: {  	_ =	swait.ge [sflag:s13], $0x500  }
0x40: {  	s19 =	smov.u32 s21;
	[sflag:s13] =	ssyncset.done $0x0  }
0x41: {  	s18 =	sadd.s32 s18, s11;
	[sflag:s13] =	ssyncadd.s32 $0xFFFFFB00  }
0x42: {  	[tilespmem:s3], [sflag:$0x1] =	stream.linear.gather [hbm4b:s18+s3], $0x50, $0x38;
	[tilespmem:$0x3550] =	vst v63  }
0x43: {  	_ =	swait.ge [sflag:s13], $0x50  }
0x44: {  	[sflag:s13] =	ssyncset.done $0x0  }
0x45: {  	[sflag:s13] =	ssyncadd.s32 $0xFFFFFFB0  }
0x46: {  	[spmem:s1] =	stream.indirect.scatter.add.f32 [tilespmem:s14], [sflag:$0x1], $0x10, s3, s14, $0xb8;
	[tilespmem:$0x3550] =	vst v63  }
0x47: {  	_ =	swait.ge [sflag:s13], $0x500  }
0x48: {  	s17 =	sadd.s32 $0x1, s17;
	[sflag:s13] =	ssyncset.done $0x0  }
0x49: {  	p0 =	sne.s32 s17, s10;
	[sflag:s13] =	ssyncadd.s32 $0xFFFFFB00  }
.Ltmp3:
0x4a: {  	[bflag:$0x0] =	sbarrier.arrive $0xFFFF;
	(pc) =	sbr.rel @p0 .LBB2_1-.Ltmp3, $4  }
0x4b: {  	[hbm:s9], [sflag:s15] =	dma.local [spmem:s16], $0x500  }
0x4c: {  	_ =	swait.ge [sflag:s13], $0x500  }
0x4d: {  	[sflag:s13] =	ssyncset.done $0x0  }
0x4e: {  	[sflag:s13] =	ssyncadd.s32 $0xFFFFFB00  }
0x4f: {  	_ =	sfence.sel $0x180000  }
0x50: {  	[bflag:$0x0] =	sbarrier.arrive $0xFFFF  }
0x51: {  	p0 =	sne.s32 s2, $0x0;
	_ =	strace $0x90000047  }
0x52: {  	s0 =	sadd.s32 @!p0 $0x100000, s0;
	[bflag:$0x2] =	sbarrier.arrive $0xFFFF  }
0x53: {  	[sflag:s0] =	ssyncadd.tile.s32 @!p0 $0x1;
	_ =	shalt  }
.Lfunc_end2:
_tile_overlayer_lowered:
.L_overlay_start_2:
0x54: {  	(tag) =	ssettag $0x2  }
0x55: {  	s0 =	rddreg [dreg:$0x0];
	s2 =	stileid.u32  }
0x56: {  	s1 =	rddreg [dreg:$0x1];
	p0 =	sne.s32 s2, $0x0  }
0x57: {  	s3 =	rddreg [dreg:$0x2];
	[bflag:$0x3] =	sbarrier.arrive $0xFFFF;
	s2 =	simm.s32 @!p0 $0x1C01  }
0x58: {  	[timem:s3], [sflag:s2] =	dma.local @!p0 [hbm:s0], s1  }
0x59: {  	s0 =	simm.s32 @!p0 $0x1  }
0x5a: {  	_ =	swait.ge @!p0 [sflag:s0], s1  }
0x5b: {  	s1 =	ssub.s32 @!p0 $0x0, s1;
	[sflag:s0] =	ssyncset.done @!p0 $0x0  }
0x5c: {  	[sflag:s0] =	ssyncadd.s32 @!p0 s1  }
0x5d: {  	[bflag:$0x3] =	sbarrier.arrive $0xFFFF  }
0x5e: {  	_ =	shalt  }

</sc_bundles>
